<compile_context>
chip_gen: v7x
topology: tpu7x:2x2x1
jax: 0.10.2.dev20260603
libtpu: 0.0.44.dev20260713+nightly
codegen_flags: <defaults>
</compile_context>

<pallas_src>
import jax
import jax.numpy as jnp
from jax import lax
from jax.experimental import pallas as pl
from jax.experimental.pallas import tpu as pltpu

_B = 4096
_NUM_CLASSES = 64
_ROWS = 256
_RC = 64
_NS = 32

_THRESH = 0.5
_MARGIN = 0.1
_SCALE_POS = 2.0
_SCALE_NEG = 40.0
_EPS = 1e-5
_LOG2E = 1.4426950408889634
_THR_CAP = 88.0


def _body(sim_ref, labr_ref, labc_ref, c_ref, out_ref, t_ref):
    part = jnp.zeros((1, 1), jnp.float32)
    for rc in range(_ROWS // _RC):
        r0 = rc * _RC
        lab_c = labc_ref[r0:r0 + _RC, :1]

        def p1(k, carry):
            mx, mnt, mxt = carry
            sk = sim_ref[pl.ds(r0, _RC), k, :]
            labk = labr_ref[0, k, :].reshape(1, 128)
            tk = jnp.where(lab_c == labk, sk - 2.0, sk)
            t_ref[pl.ds(r0, _RC), k, :] = tk
            return (jnp.maximum(mx, sk), jnp.minimum(mnt, tk),
                    jnp.maximum(mxt, tk))

        finit = jnp.full((_RC, 128), -3.0, jnp.float32)
        mx, mnt, mxt = lax.fori_loop(0, _NS, p1, (finit, -finit, finit))

        row_max = jnp.max(mx, axis=1, keepdims=True)
        min_pos = jnp.min(mnt, axis=1, keepdims=True) + 2.0
        max_t = jnp.max(mxt, axis=1, keepdims=True)
        max_neg = jnp.where(max_t >= -0.5, max_t, -jnp.inf)
        min_pos = jnp.where(min_pos < row_max - _EPS, min_pos, jnp.inf)

        pos_thr = jnp.minimum(row_max - _EPS, max_neg + _MARGIN)
        neg_thr = min_pos - _MARGIN
        u_pos_thr = jnp.minimum(-_SCALE_POS * (pos_thr - _THRESH), _THR_CAP)
        u_neg_thr = jnp.minimum(_SCALE_NEG * (neg_thr - _THRESH), _THR_CAP)

        a_pos = -_SCALE_POS * _LOG2E
        a_neg = _SCALE_NEG * _LOG2E
        b_pos = (_THRESH * _SCALE_POS - u_pos_thr) * _LOG2E + 2.0 * a_pos
        b_neg = (-_THRESH * _SCALE_NEG - u_neg_thr) * _LOG2E

        def p2(k, g):
            tk = t_ref[pl.ds(r0, _RC), k, :]
            same2 = tk < -0.5
            a = jnp.where(same2, a_pos, a_neg)
            b = jnp.where(same2, b_pos, b_neg)
            w = tk * a + b
            e = jnp.where(w > 0.0, jnp.exp2(w), 0.0)
            return g + jax.lax.dot_general(
                e, c_ref[k], (((1,), (0,)), ((), ())),
                preferred_element_type=jnp.float32)

        g = lax.fori_loop(0, _NS, p2, jnp.zeros((_RC, _NUM_CLASSES),
                                                jnp.float32))

        esum = jnp.sum(g, axis=1, keepdims=True)
        rowhot = lab_c == jax.lax.broadcasted_iota(
            jnp.int32, (1, _NUM_CLASSES), 1)
        psum_raw = jnp.sum(jnp.where(rowhot, g, 0.0), axis=1, keepdims=True)

        psum = psum_raw * jnp.exp(u_pos_thr)
        nsum = (esum - psum_raw) * jnp.exp(u_neg_thr)

        per_row = jnp.log1p(psum) / _SCALE_POS + jnp.log1p(nsum) / _SCALE_NEG
        valid = lab_c != 0
        part = part + jnp.sum(jnp.where(valid, per_row, 0.0),
                              axis=0, keepdims=True) * (1.0 / _B)

    @pl.when(pl.program_id(0) == 0)
    def _():
        out_ref[...] = jnp.zeros((1, 1), jnp.float32)

    out_ref[...] += part


def kernel(sim_mat, labels):
    sim3 = sim_mat.reshape(_B, _NS, 128)
    lab_r = labels.reshape(1, _NS, 128)
    lab_c = jnp.broadcast_to(labels.reshape(_B, 1), (_B, 128))
    c_mat = (labels.reshape(_B, 1)
             == jnp.arange(_NUM_CLASSES, dtype=jnp.int32).reshape(1, _NUM_CLASSES)
             ).astype(jnp.float32).reshape(_NS, 128, _NUM_CLASSES)
    out = pl.pallas_call(
        _body,
        grid=(_B // _ROWS,),
        in_specs=[
            pl.BlockSpec((_ROWS, _NS, 128), lambda i: (i, 0, 0)),
            pl.BlockSpec((1, _NS, 128), lambda i: (0, 0, 0)),
            pl.BlockSpec((_ROWS, 128), lambda i: (i, 0)),
            pl.BlockSpec((_NS, 128, _NUM_CLASSES), lambda i: (0, 0, 0)),
        ],
        out_specs=pl.BlockSpec((1, 1), lambda i: (0, 0)),
        out_shape=jax.ShapeDtypeStruct((1, 1), jnp.float32),
        scratch_shapes=[pltpu.VMEM((_ROWS, _NS, 128), jnp.float32)],
    )(sim3, lab_r, lab_c, c_mat)
    return out[0, 0]

# --- scband reference (transcript-rebuilt; emitter-appended) ---
"""Pipeline reference for scband-multi-similarity-loss-sm-88880053223606 (READ-ONLY COPY).

The authoritative reference and input builder live on the scoring server;
editing this copy changes nothing except your own understanding.
"""

import jax, jax.numpy as jnp
import numpy as np

B = 4096
NUM_CLASSES = 64

def setup_inputs(seed: int = 0) -> dict:
    key = jax.random.key(seed)
    k1, k2 = jax.random.split(key)
    sim_mat = jax.random.uniform(k1, (B, B), dtype=jnp.float32)
    labels = jax.random.randint(k2, (B,), 0, NUM_CLASSES, dtype=jnp.int32)
    return {"sim_mat": sim_mat, "labels": labels}

def reference(sim_mat, labels):
    # Faithful vectorized translation of MultiSimilarityLossSM.forward.
    thresh = 0.5
    margin = 0.1
    scale_pos = 2.0
    scale_neg = 40.0
    epsilon = 1e-05
    Bn = sim_mat.shape[0]

    same = labels[:, None] == labels[None, :]                 # labels == labels[i]
    row_max = jnp.max(sim_mat, axis=1, keepdims=True)          # max(sim_mat[i])
    # pos_pair_ = sim[i][same] filtered by sim < row_max - eps
    pos_mask = same & (sim_mat < row_max - epsilon)
    neg_mask = jnp.logical_not(same)                           # labels != labels[i]

    # min(pos_pair_) and max(neg_pair_) per row (inf fillers where mask empty)
    min_pos = jnp.min(jnp.where(pos_mask, sim_mat, jnp.inf), axis=1, keepdims=True)
    max_neg = jnp.max(jnp.where(neg_mask, sim_mat, -jnp.inf), axis=1, keepdims=True)

    # neg_pair = neg_pair_[neg_pair_ + margin > min(pos_pair_)]
    neg_sel = neg_mask & (sim_mat + margin > min_pos)
    # pos_pair = pos_pair_[pos_pair_ - margin < max(neg_pair_)]
    pos_sel = pos_mask & (sim_mat - margin < max_neg)

    pos_exp = jnp.exp(-scale_pos * (sim_mat - thresh))
    neg_exp = jnp.exp(scale_neg * (sim_mat - thresh))
    pos_sum = jnp.sum(jnp.where(pos_sel, pos_exp, 0.0), axis=1)
    neg_sum = jnp.sum(jnp.where(neg_sel, neg_exp, 0.0), axis=1)

    # log(1 + sum) == 0 when the selected set is empty, matching the torch skip logic
    pos_loss = jnp.log1p(pos_sum) / scale_pos
    neg_loss = jnp.log1p(neg_sum) / scale_neg

    valid = labels != 0                                        # rows with labels[i]==0 are skipped
    per_row = jnp.where(valid, pos_loss + neg_loss, 0.0)
    loss = jnp.sum(per_row) / Bn
    return loss

if __name__ == "__main__":
    import jax
    _d = setup_inputs()
    print(jax.jit(kernel)(*tuple(_d.values())))

</pallas_src>

<mosaic_0001>
module attributes {stable_mosaic.version = 14 : i64} {
  func.func @_body(%arg0: i32, %arg1: memref<256x32x128xf32, #tpu.memory_space<vmem>>, %arg2: memref<1x32x128xi32, #tpu.memory_space<vmem>>, %arg3: memref<256x128xi32, #tpu.memory_space<vmem>>, %arg4: memref<32x128x64xf32, #tpu.memory_space<vmem>>, %arg5: memref<1x1xf32, #tpu.memory_space<vmem>>, %arg6: memref<256x32x128xf32, #tpu.memory_space<vmem>>) attributes {dimension_semantics = [#tpu.dimension_semantics<arbitrary>], iteration_bounds = array<i64: 16>, scalar_prefetch = 0 : i64, scratch_operands = 1 : i64, tpu.core_type = #tpu.core_type<tc>, window_params = [{transform_indices = @transform_0, window_bounds = array<i64: 256, 32, 128>}, {pipeline_mode = #tpu.pipeline_mode<synchronous>, transform_indices = @transform_1, window_bounds = array<i64: 1, 32, 128>}, {transform_indices = @transform_2, window_bounds = array<i64: 256, 128>}, {pipeline_mode = #tpu.pipeline_mode<synchronous>, transform_indices = @transform_3, window_bounds = array<i64: 32, 128, 64>}, {pipeline_mode = #tpu.pipeline_mode<synchronous>, transform_indices = @transform_4, window_bounds = array<i64: 1, 1>}]} {
    %broadcast_in_dim3A = arith.constant 0.000000e+00 : f32
    %broadcast_in_dim3A_0 = vector.broadcast %broadcast_in_dim3A : f32 to vector<1x1xf32>
    %get3A = arith.constant 0 : index
    %get3A_1 = arith.constant 0 : index
    %get3A_2 = vector.load %arg3[%get3A, %get3A_1] : memref<256x128xi32, #tpu.memory_space<vmem>>, vector<64x1xi32>
    %broadcast_in_dim3A_3 = arith.constant -3.000000e+00 : f32
    %broadcast_in_dim3A_4 = vector.broadcast %broadcast_in_dim3A_3 : f32 to vector<64x128xf32>
    %neg3A = arith.constant 0.000000e+00 : f32
    %neg3A_5 = vector.broadcast %neg3A : f32 to vector<64x128xf32>
    %neg3A_6 = arith.subf %neg3A_5, %broadcast_in_dim3A_4 : vector<64x128xf32>
    %scan3A = arith.constant 0 : i32
    %scan3A_7 = arith.constant 32 : i32
    %scan3A_8 = arith.addi %scan3A, %scan3A_7 : i32
    %scan3A_9 = arith.constant 1 : i32
    %scan3A_10:3 = scf.for %scan3A_510 = %scan3A to %scan3A_8 step %scan3A_9 iter_args(%scan3A_511 = %broadcast_in_dim3A_4, %scan3A_512 = %neg3A_6, %scan3A_513 = %broadcast_in_dim3A_4) -> (vector<64x128xf32>, vector<64x128xf32>, vector<64x128xf32>)  : i32 {
      %get3A_514 = arith.constant 0 : index
      %get3A_515 = arith.index_cast %scan3A_510 : i32 to index
      %get3A_516 = arith.constant 0 : index
      %get3A_517 = vector.load %arg1[%get3A_514, %get3A_515, %get3A_516] : memref<256x32x128xf32, #tpu.memory_space<vmem>>, vector<64x1x128xf32>
      %get3A_518 = vector.shape_cast %get3A_517 : vector<64x1x128xf32> to vector<64x128xf32>
      %get3A_519 = arith.constant 0 : index
      %get3A_520 = arith.index_cast %scan3A_510 : i32 to index
      %get3A_521 = arith.constant 0 : index
      %get3A_522 = vector.load %arg2[%get3A_519, %get3A_520, %get3A_521] : memref<1x32x128xi32, #tpu.memory_space<vmem>>, vector<1x1x128xi32>
      %get3A_523 = vector.shape_cast %get3A_522 : vector<1x1x128xi32> to vector<128xi32>
      %reshape3A = vector.shape_cast %get3A_523 : vector<128xi32> to vector<1x128xi32>
      %eq3A_524 = vector.broadcast %get3A_2 : vector<64x1xi32> to vector<64x128xi32>
      %eq3A_525 = vector.broadcast %reshape3A : vector<1x128xi32> to vector<64x128xi32>
      %eq3A_526 = arith.cmpi eq, %eq3A_524, %eq3A_525 : vector<64x128xi32>
      %sub3A_527 = arith.constant 2.000000e+00 : f32
      %sub3A_528 = vector.broadcast %sub3A_527 : f32 to vector<64x128xf32>
      %sub3A_529 = arith.subf %get3A_518, %sub3A_528 : vector<64x128xf32>
      %select_n3A_530 = arith.select %eq3A_526, %sub3A_529, %get3A_518 : vector<64x128xi1>, vector<64x128xf32>
      %swap3A_531 = arith.constant 0 : index
      %swap3A_532 = arith.index_cast %scan3A_510 : i32 to index
      %swap3A_533 = arith.constant 0 : index
      %swap3A_534 = vector.load %arg6[%swap3A_531, %swap3A_532, %swap3A_533] : memref<256x32x128xf32, #tpu.memory_space<vmem>>, vector<64x1x128xf32>
      %swap3A_535 = vector.shape_cast %swap3A_534 : vector<64x1x128xf32> to vector<64x128xf32>
      %swap3A_536 = vector.shape_cast %select_n3A_530 : vector<64x128xf32> to vector<64x1x128xf32>
      tpu.vector_store %arg6[%swap3A_531, %swap3A_532, %swap3A_533], %swap3A_536 {strides = array<i32>} : memref<256x32x128xf32, #tpu.memory_space<vmem>>, vector<64x1x128xf32>,
      %max3A = arith.maximumf %scan3A_511, %get3A_518 : vector<64x128xf32>
      %min3A_537 = arith.minimumf %scan3A_512, %select_n3A_530 : vector<64x128xf32>
      %max3A_538 = arith.maximumf %scan3A_513, %select_n3A_530 : vector<64x128xf32>
      scf.yield %max3A, %min3A_537, %max3A_538 : vector<64x128xf32>, vector<64x128xf32>, vector<64x128xf32>
    }
    %scan3A_11 = arith.constant 32 : i32
    %reduce_max3A = arith.constant dense<0xFF800000> : vector<64xf32>
    %reduce_max3A_12 = vector.multi_reduction <maximumf>, %scan3A_10#0, %reduce_max3A [1] : vector<64x128xf32> to vector<64xf32>
    %broadcast_in_dim3A_13 = vector.shape_cast %reduce_max3A_12 : vector<64xf32> to vector<64x1xf32>
    %reduce_min3A = arith.constant dense<0x7F800000> : vector<64xf32>
    %reduce_min3A_14 = vector.multi_reduction <minimumf>, %scan3A_10#1, %reduce_min3A [1] : vector<64x128xf32> to vector<64xf32>
    %broadcast_in_dim3A_15 = vector.shape_cast %reduce_min3A_14 : vector<64xf32> to vector<64x1xf32>
    %add3A = arith.constant 2.000000e+00 : f32
    %add3A_16 = vector.broadcast %add3A : f32 to vector<64x1xf32>
    %add3A_17 = arith.addf %broadcast_in_dim3A_15, %add3A_16 : vector<64x1xf32>
    %reduce_max3A_18 = arith.constant dense<0xFF800000> : vector<64xf32>
    %reduce_max3A_19 = vector.multi_reduction <maximumf>, %scan3A_10#2, %reduce_max3A_18 [1] : vector<64x128xf32> to vector<64xf32>
    %broadcast_in_dim3A_20 = vector.shape_cast %reduce_max3A_19 : vector<64xf32> to vector<64x1xf32>
    %ge3A = arith.constant -5.000000e-01 : f32
    %ge3A_21 = vector.broadcast %ge3A : f32 to vector<64x1xf32>
    %ge3A_22 = arith.cmpf oge, %broadcast_in_dim3A_20, %ge3A_21 : vector<64x1xf32>
    %jit3A = arith.constant 0xFF800000 : f32
    %broadcast_in_dim3A_23 = vector.broadcast %jit3A : f32 to vector<64x1xf32>
    %select_n3A = arith.select %ge3A_22, %broadcast_in_dim3A_20, %broadcast_in_dim3A_23 : vector<64x1xi1>, vector<64x1xf32>
    %sub3A = arith.constant 9.99999974E-6 : f32
    %sub3A_24 = vector.broadcast %sub3A : f32 to vector<64x1xf32>
    %sub3A_25 = arith.subf %broadcast_in_dim3A_13, %sub3A_24 : vector<64x1xf32>
    %lt3A = arith.cmpf olt, %add3A_17, %sub3A_25 : vector<64x1xf32>
    %jit3A_26 = arith.constant 0x7F800000 : f32
    %broadcast_in_dim3A_27 = vector.broadcast %jit3A_26 : f32 to vector<64x1xf32>
    %select_n3A_28 = arith.select %lt3A, %add3A_17, %broadcast_in_dim3A_27 : vector<64x1xi1>, vector<64x1xf32>
    %sub3A_29 = arith.constant 9.99999974E-6 : f32
    %sub3A_30 = vector.broadcast %sub3A_29 : f32 to vector<64x1xf32>
    %sub3A_31 = arith.subf %broadcast_in_dim3A_13, %sub3A_30 : vector<64x1xf32>
    %add3A_32 = arith.constant 1.000000e-01 : f32
    %add3A_33 = vector.broadcast %add3A_32 : f32 to vector<64x1xf32>
    %add3A_34 = arith.addf %select_n3A, %add3A_33 : vector<64x1xf32>
    %min3A = arith.minimumf %sub3A_31, %add3A_34 : vector<64x1xf32>
    %sub3A_35 = arith.constant 1.000000e-01 : f32
    %sub3A_36 = vector.broadcast %sub3A_35 : f32 to vector<64x1xf32>
    %sub3A_37 = arith.subf %select_n3A_28, %sub3A_36 : vector<64x1xf32>
    %sub3A_38 = arith.constant 5.000000e-01 : f32
    %sub3A_39 = vector.broadcast %sub3A_38 : f32 to vector<64x1xf32>
    %sub3A_40 = arith.subf %min3A, %sub3A_39 : vector<64x1xf32>
    %mul3A = arith.constant -2.000000e+00 : f32
    %mul3A_41 = vector.broadcast %mul3A : f32 to vector<64x1xf32>
    %mul3A_42 = arith.mulf %mul3A_41, %sub3A_40 : vector<64x1xf32>
    %min3A_43 = arith.constant 8.800000e+01 : f32
    %min3A_44 = vector.broadcast %min3A_43 : f32 to vector<64x1xf32>
    %min3A_45 = arith.minimumf %mul3A_42, %min3A_44 : vector<64x1xf32>
    %sub3A_46 = arith.constant 5.000000e-01 : f32
    %sub3A_47 = vector.broadcast %sub3A_46 : f32 to vector<64x1xf32>
    %sub3A_48 = arith.subf %sub3A_37, %sub3A_47 : vector<64x1xf32>
    %mul3A_49 = arith.constant 4.000000e+01 : f32
    %mul3A_50 = vector.broadcast %mul3A_49 : f32 to vector<64x1xf32>
    %mul3A_51 = arith.mulf %mul3A_50, %sub3A_48 : vector<64x1xf32>
    %min3A_52 = arith.constant 8.800000e+01 : f32
    %min3A_53 = vector.broadcast %min3A_52 : f32 to vector<64x1xf32>
    %min3A_54 = arith.minimumf %mul3A_51, %min3A_53 : vector<64x1xf32>
    %sub3A_55 = arith.constant 1.000000e+00 : f32
    %sub3A_56 = vector.broadcast %sub3A_55 : f32 to vector<64x1xf32>
    %sub3A_57 = arith.subf %sub3A_56, %min3A_45 : vector<64x1xf32>
    %mul3A_58 = arith.constant 1.44269502 : f32
    %mul3A_59 = vector.broadcast %mul3A_58 : f32 to vector<64x1xf32>
    %mul3A_60 = arith.mulf %sub3A_57, %mul3A_59 : vector<64x1xf32>
    %add3A_61 = arith.constant -5.770780e+00 : f32
    %add3A_62 = vector.broadcast %add3A_61 : f32 to vector<64x1xf32>
    %add3A_63 = arith.addf %mul3A_60, %add3A_62 : vector<64x1xf32>
    %sub3A_64 = arith.constant -2.000000e+01 : f32
    %sub3A_65 = vector.broadcast %sub3A_64 : f32 to vector<64x1xf32>
    %sub3A_66 = arith.subf %sub3A_65, %min3A_54 : vector<64x1xf32>
    %mul3A_67 = arith.constant 1.44269502 : f32
    %mul3A_68 = vector.broadcast %mul3A_67 : f32 to vector<64x1xf32>
    %mul3A_69 = arith.mulf %sub3A_66, %mul3A_68 : vector<64x1xf32>
    %broadcast_in_dim3A_70 = arith.constant 0.000000e+00 : f32
    %broadcast_in_dim3A_71 = vector.broadcast %broadcast_in_dim3A_70 : f32 to vector<64x64xf32>
    %scan3A_72 = arith.constant 0 : i32
    %scan3A_73 = arith.constant 32 : i32
    %scan3A_74 = arith.addi %scan3A_72, %scan3A_73 : i32
    %scan3A_75 = arith.constant 1 : i32
    %scan3A_76 = scf.for %scan3A_510 = %scan3A_72 to %scan3A_74 step %scan3A_75 iter_args(%scan3A_511 = %broadcast_in_dim3A_71) -> (vector<64x64xf32>)  : i32 {
      %get3A_512 = arith.constant 0 : index
      %get3A_513 = arith.index_cast %scan3A_510 : i32 to index
      %get3A_514 = arith.constant 0 : index
      %get3A_515 = vector.load %arg6[%get3A_512, %get3A_513, %get3A_514] : memref<256x32x128xf32, #tpu.memory_space<vmem>>, vector<64x1x128xf32>
      %get3A_516 = vector.shape_cast %get3A_515 : vector<64x1x128xf32> to vector<64x128xf32>
      %lt3A_517 = arith.constant -5.000000e-01 : f32
      %lt3A_518 = vector.broadcast %lt3A_517 : f32 to vector<64x128xf32>
      %lt3A_519 = arith.cmpf olt, %get3A_516, %lt3A_518 : vector<64x128xf32>
      %jit3A_520 = arith.constant -2.885390e+00 : f32
      %jit3A_521 = arith.constant 5.770780e+01 : f32
      %broadcast_in_dim3A_522 = vector.broadcast %jit3A_520 : f32 to vector<64x128xf32>
      %broadcast_in_dim3A_523 = vector.broadcast %jit3A_521 : f32 to vector<64x128xf32>
      %select_n3A_524 = arith.select %lt3A_519, %broadcast_in_dim3A_522, %broadcast_in_dim3A_523 : vector<64x128xi1>, vector<64x128xf32>
      %broadcast_in_dim3A_525 = vector.shape_cast %add3A_63 : vector<64x1xf32> to vector<64x1xf32>
      %broadcast_in_dim3A_526 = vector.broadcast %broadcast_in_dim3A_525 : vector<64x1xf32> to vector<64x128xf32>
      %broadcast_in_dim3A_527 = vector.shape_cast %mul3A_69 : vector<64x1xf32> to vector<64x1xf32>
      %broadcast_in_dim3A_528 = vector.broadcast %broadcast_in_dim3A_527 : vector<64x1xf32> to vector<64x128xf32>
      %select_n3A_529 = arith.select %lt3A_519, %broadcast_in_dim3A_526, %broadcast_in_dim3A_528 : vector<64x128xi1>, vector<64x128xf32>
      %mul3A_530 = arith.mulf %get3A_516, %select_n3A_524 : vector<64x128xf32>
      %add3A_531 = arith.addf %mul3A_530, %select_n3A_529 : vector<64x128xf32>
      %gt3A = arith.constant 0.000000e+00 : f32
      %gt3A_532 = vector.broadcast %gt3A : f32 to vector<64x128xf32>
      %gt3A_533 = arith.cmpf ogt, %add3A_531, %gt3A_532 : vector<64x128xf32>
      %exp23A = math.exp2 %add3A_531 : vector<64x128xf32>
      %jit3A_534 = arith.constant 0.000000e+00 : f32
      %broadcast_in_dim3A_535 = vector.broadcast %jit3A_534 : f32 to vector<64x128xf32>
      %select_n3A_536 = arith.select %gt3A_533, %exp23A, %broadcast_in_dim3A_535 : vector<64x128xi1>, vector<64x128xf32>
      %get3A_537 = arith.index_cast %scan3A_510 : i32 to index
      %get3A_538 = arith.constant 0 : index
      %get3A_539 = arith.constant 0 : index
      %get3A_540 = vector.load %arg4[%get3A_537, %get3A_538, %get3A_539] : memref<32x128x64xf32, #tpu.memory_space<vmem>>, vector<1x128x64xf32>
      %get3A_541 = vector.shape_cast %get3A_540 : vector<1x128x64xf32> to vector<128x64xf32>
      %dot_general3A = arith.constant dense<0.000000e+00> : vector<64x64xf32>
      %dot_general3A_542 = tpu.matmul %select_n3A_536, %get3A_541, %dot_general3A {dimension_numbers = #tpu.dot_dimension_numbers<[1], [0], [0], [1], [0, 0, 1, 1], [], []>, transpose_lhs_hint = false} : vector<64x128xf32>, vector<128x64xf32>, vector<64x64xf32> -> vector<64x64xf32>
      %add3A_543 = arith.addf %scan3A_511, %dot_general3A_542 : vector<64x64xf32>
      scf.yield %add3A_543 : vector<64x64xf32>
    }
    %scan3A_77 = arith.constant 32 : i32
    %reduce_sum3A = arith.constant dense<0.000000e+00> : vector<64xf32>
    %reduce_sum3A_78 = vector.multi_reduction <add>, %scan3A_76, %reduce_sum3A [1] : vector<64x64xf32> to vector<64xf32>
    %broadcast_in_dim3A_79 = vector.shape_cast %reduce_sum3A_78 : vector<64xf32> to vector<64x1xf32>
    %iota3A = tpu.iota {dimensions = array<i32: 1>} : vector<1x64xi32>
    %eq3A = vector.broadcast %get3A_2 : vector<64x1xi32> to vector<64x64xi32>
    %eq3A_80 = vector.broadcast %iota3A : vector<1x64xi32> to vector<64x64xi32>
    %eq3A_81 = arith.cmpi eq, %eq3A, %eq3A_80 : vector<64x64xi32>
    %jit3A_82 = arith.constant 0.000000e+00 : f32
    %broadcast_in_dim3A_83 = vector.broadcast %jit3A_82 : f32 to vector<64x64xf32>
    %select_n3A_84 = arith.select %eq3A_81, %scan3A_76, %broadcast_in_dim3A_83 : vector<64x64xi1>, vector<64x64xf32>
    %reduce_sum3A_85 = arith.constant dense<0.000000e+00> : vector<64xf32>
    %reduce_sum3A_86 = vector.multi_reduction <add>, %select_n3A_84, %reduce_sum3A_85 [1] : vector<64x64xf32> to vector<64xf32>
    %broadcast_in_dim3A_87 = vector.shape_cast %reduce_sum3A_86 : vector<64xf32> to vector<64x1xf32>
    %exp3A = math.exp %min3A_45 : vector<64x1xf32>
    %mul3A_88 = arith.mulf %broadcast_in_dim3A_87, %exp3A : vector<64x1xf32>
    %sub3A_89 = arith.subf %broadcast_in_dim3A_79, %broadcast_in_dim3A_87 : vector<64x1xf32>
    %exp3A_90 = math.exp %min3A_54 : vector<64x1xf32>
    %mul3A_91 = arith.mulf %sub3A_89, %exp3A_90 : vector<64x1xf32>
    %log1p3A = math.log1p %mul3A_88 : vector<64x1xf32>
    %div3A = arith.constant 2.000000e+00 : f32
    %div3A_92 = vector.broadcast %div3A : f32 to vector<64x1xf32>
    %div3A_93 = arith.divf %log1p3A, %div3A_92 : vector<64x1xf32>
    %log1p3A_94 = math.log1p %mul3A_91 : vector<64x1xf32>
    %div3A_95 = arith.constant 4.000000e+01 : f32
    %div3A_96 = vector.broadcast %div3A_95 : f32 to vector<64x1xf32>
    %div3A_97 = arith.divf %log1p3A_94, %div3A_96 : vector<64x1xf32>
    %add3A_98 = arith.addf %div3A_93, %div3A_97 : vector<64x1xf32>
    %ne3A = arith.constant 0 : i32
    %ne3A_99 = vector.broadcast %ne3A : i32 to vector<64x1xi32>
    %ne3A_100 = arith.cmpi ne, %get3A_2, %ne3A_99 : vector<64x1xi32>
    %jit3A_101 = arith.constant 0.000000e+00 : f32
    %broadcast_in_dim3A_102 = vector.broadcast %jit3A_101 : f32 to vector<64x1xf32>
    %select_n3A_103 = arith.select %ne3A_100, %add3A_98, %broadcast_in_dim3A_102 : vector<64x1xi1>, vector<64x1xf32>
    %reduce_sum3A_104 = arith.constant dense<0.000000e+00> : vector<1xf32>
    %reduce_sum3A_105 = vector.multi_reduction <add>, %select_n3A_103, %reduce_sum3A_104 [0] : vector<64x1xf32> to vector<1xf32>
    %broadcast_in_dim3A_106 = vector.shape_cast %reduce_sum3A_105 : vector<1xf32> to vector<1x1xf32>
    %mul3A_107 = arith.constant 2.44140625E-4 : f32
    %mul3A_108 = vector.broadcast %mul3A_107 : f32 to vector<1x1xf32>
    %mul3A_109 = arith.mulf %broadcast_in_dim3A_106, %mul3A_108 : vector<1x1xf32>
    %add3A_110 = arith.addf %broadcast_in_dim3A_0, %mul3A_109 : vector<1x1xf32>
    %get3A_111 = arith.constant 64 : index
    %get3A_112 = arith.constant 0 : index
    %get3A_113 = vector.load %arg3[%get3A_111, %get3A_112] : memref<256x128xi32, #tpu.memory_space<vmem>>, vector<64x1xi32>
    %broadcast_in_dim3A_114 = arith.constant -3.000000e+00 : f32
    %broadcast_in_dim3A_115 = vector.broadcast %broadcast_in_dim3A_114 : f32 to vector<64x128xf32>
    %neg3A_116 = arith.constant 0.000000e+00 : f32
    %neg3A_117 = vector.broadcast %neg3A_116 : f32 to vector<64x128xf32>
    %neg3A_118 = arith.subf %neg3A_117, %broadcast_in_dim3A_115 : vector<64x128xf32>
    %scan3A_119 = arith.constant 0 : i32
    %scan3A_120 = arith.constant 32 : i32
    %scan3A_121 = arith.addi %scan3A_119, %scan3A_120 : i32
    %scan3A_122 = arith.constant 1 : i32
    %scan3A_123:3 = scf.for %scan3A_510 = %scan3A_119 to %scan3A_121 step %scan3A_122 iter_args(%scan3A_511 = %broadcast_in_dim3A_115, %scan3A_512 = %neg3A_118, %scan3A_513 = %broadcast_in_dim3A_115) -> (vector<64x128xf32>, vector<64x128xf32>, vector<64x128xf32>)  : i32 {
      %get3A_514 = arith.constant 64 : index
      %get3A_515 = arith.index_cast %scan3A_510 : i32 to index
      %get3A_516 = arith.constant 0 : index
      %get3A_517 = vector.load %arg1[%get3A_514, %get3A_515, %get3A_516] : memref<256x32x128xf32, #tpu.memory_space<vmem>>, vector<64x1x128xf32>
      %get3A_518 = vector.shape_cast %get3A_517 : vector<64x1x128xf32> to vector<64x128xf32>
      %get3A_519 = arith.constant 0 : index
      %get3A_520 = arith.index_cast %scan3A_510 : i32 to index
      %get3A_521 = arith.constant 0 : index
      %get3A_522 = vector.load %arg2[%get3A_519, %get3A_520, %get3A_521] : memref<1x32x128xi32, #tpu.memory_space<vmem>>, vector<1x1x128xi32>
      %get3A_523 = vector.shape_cast %get3A_522 : vector<1x1x128xi32> to vector<128xi32>
      %reshape3A = vector.shape_cast %get3A_523 : vector<128xi32> to vector<1x128xi32>
      %eq3A_524 = vector.broadcast %get3A_113 : vector<64x1xi32> to vector<64x128xi32>
      %eq3A_525 = vector.broadcast %reshape3A : vector<1x128xi32> to vector<64x128xi32>
      %eq3A_526 = arith.cmpi eq, %eq3A_524, %eq3A_525 : vector<64x128xi32>
      %sub3A_527 = arith.constant 2.000000e+00 : f32
      %sub3A_528 = vector.broadcast %sub3A_527 : f32 to vector<64x128xf32>
      %sub3A_529 = arith.subf %get3A_518, %sub3A_528 : vector<64x128xf32>
      %select_n3A_530 = arith.select %eq3A_526, %sub3A_529, %get3A_518 : vector<64x128xi1>, vector<64x128xf32>
      %swap3A_531 = arith.constant 64 : index
      %swap3A_532 = arith.index_cast %scan3A_510 : i32 to index
      %swap3A_533 = arith.constant 0 : index
      %swap3A_534 = vector.load %arg6[%swap3A_531, %swap3A_532, %swap3A_533] : memref<256x32x128xf32, #tpu.memory_space<vmem>>, vector<64x1x128xf32>
      %swap3A_535 = vector.shape_cast %swap3A_534 : vector<64x1x128xf32> to vector<64x128xf32>
      %swap3A_536 = vector.shape_cast %select_n3A_530 : vector<64x128xf32> to vector<64x1x128xf32>
      tpu.vector_store %arg6[%swap3A_531, %swap3A_532, %swap3A_533], %swap3A_536 {strides = array<i32>} : memref<256x32x128xf32, #tpu.memory_space<vmem>>, vector<64x1x128xf32>,
      %max3A = arith.maximumf %scan3A_511, %get3A_518 : vector<64x128xf32>
      %min3A_537 = arith.minimumf %scan3A_512, %select_n3A_530 : vector<64x128xf32>
      %max3A_538 = arith.maximumf %scan3A_513, %select_n3A_530 : vector<64x128xf32>
      scf.yield %max3A, %min3A_537, %max3A_538 : vector<64x128xf32>, vector<64x128xf32>, vector<64x128xf32>
    }
    %scan3A_124 = arith.constant 32 : i32
    %reduce_max3A_125 = arith.constant dense<0xFF800000> : vector<64xf32>
    %reduce_max3A_126 = vector.multi_reduction <maximumf>, %scan3A_123#0, %reduce_max3A_125 [1] : vector<64x128xf32> to vector<64xf32>
    %broadcast_in_dim3A_127 = vector.shape_cast %reduce_max3A_126 : vector<64xf32> to vector<64x1xf32>
    %reduce_min3A_128 = arith.constant dense<0x7F800000> : vector<64xf32>
    %reduce_min3A_129 = vector.multi_reduction <minimumf>, %scan3A_123#1, %reduce_min3A_128 [1] : vector<64x128xf32> to vector<64xf32>
    %broadcast_in_dim3A_130 = vector.shape_cast %reduce_min3A_129 : vector<64xf32> to vector<64x1xf32>
    %add3A_131 = arith.constant 2.000000e+00 : f32
    %add3A_132 = vector.broadcast %add3A_131 : f32 to vector<64x1xf32>
    %add3A_133 = arith.addf %broadcast_in_dim3A_130, %add3A_132 : vector<64x1xf32>
    %reduce_max3A_134 = arith.constant dense<0xFF800000> : vector<64xf32>
    %reduce_max3A_135 = vector.multi_reduction <maximumf>, %scan3A_123#2, %reduce_max3A_134 [1] : vector<64x128xf32> to vector<64xf32>
    %broadcast_in_dim3A_136 = vector.shape_cast %reduce_max3A_135 : vector<64xf32> to vector<64x1xf32>
    %ge3A_137 = arith.constant -5.000000e-01 : f32
    %ge3A_138 = vector.broadcast %ge3A_137 : f32 to vector<64x1xf32>
    %ge3A_139 = arith.cmpf oge, %broadcast_in_dim3A_136, %ge3A_138 : vector<64x1xf32>
    %jit3A_140 = arith.constant 0xFF800000 : f32
    %broadcast_in_dim3A_141 = vector.broadcast %jit3A_140 : f32 to vector<64x1xf32>
    %select_n3A_142 = arith.select %ge3A_139, %broadcast_in_dim3A_136, %broadcast_in_dim3A_141 : vector<64x1xi1>, vector<64x1xf32>
    %sub3A_143 = arith.constant 9.99999974E-6 : f32
    %sub3A_144 = vector.broadcast %sub3A_143 : f32 to vector<64x1xf32>
    %sub3A_145 = arith.subf %broadcast_in_dim3A_127, %sub3A_144 : vector<64x1xf32>
    %lt3A_146 = arith.cmpf olt, %add3A_133, %sub3A_145 : vector<64x1xf32>
    %jit3A_147 = arith.constant 0x7F800000 : f32
    %broadcast_in_dim3A_148 = vector.broadcast %jit3A_147 : f32 to vector<64x1xf32>
    %select_n3A_149 = arith.select %lt3A_146, %add3A_133, %broadcast_in_dim3A_148 : vector<64x1xi1>, vector<64x1xf32>
    %sub3A_150 = arith.constant 9.99999974E-6 : f32
    %sub3A_151 = vector.broadcast %sub3A_150 : f32 to vector<64x1xf32>
    %sub3A_152 = arith.subf %broadcast_in_dim3A_127, %sub3A_151 : vector<64x1xf32>
    %add3A_153 = arith.constant 1.000000e-01 : f32
    %add3A_154 = vector.broadcast %add3A_153 : f32 to vector<64x1xf32>
    %add3A_155 = arith.addf %select_n3A_142, %add3A_154 : vector<64x1xf32>
    %min3A_156 = arith.minimumf %sub3A_152, %add3A_155 : vector<64x1xf32>
    %sub3A_157 = arith.constant 1.000000e-01 : f32
    %sub3A_158 = vector.broadcast %sub3A_157 : f32 to vector<64x1xf32>
    %sub3A_159 = arith.subf %select_n3A_149, %sub3A_158 : vector<64x1xf32>
    %sub3A_160 = arith.constant 5.000000e-01 : f32
    %sub3A_161 = vector.broadcast %sub3A_160 : f32 to vector<64x1xf32>
    %sub3A_162 = arith.subf %min3A_156, %sub3A_161 : vector<64x1xf32>
    %mul3A_163 = arith.constant -2.000000e+00 : f32
    %mul3A_164 = vector.broadcast %mul3A_163 : f32 to vector<64x1xf32>
    %mul3A_165 = arith.mulf %mul3A_164, %sub3A_162 : vector<64x1xf32>
    %min3A_166 = arith.constant 8.800000e+01 : f32
    %min3A_167 = vector.broadcast %min3A_166 : f32 to vector<64x1xf32>
    %min3A_168 = arith.minimumf %mul3A_165, %min3A_167 : vector<64x1xf32>
    %sub3A_169 = arith.constant 5.000000e-01 : f32
    %sub3A_170 = vector.broadcast %sub3A_169 : f32 to vector<64x1xf32>
    %sub3A_171 = arith.subf %sub3A_159, %sub3A_170 : vector<64x1xf32>
    %mul3A_172 = arith.constant 4.000000e+01 : f32
    %mul3A_173 = vector.broadcast %mul3A_172 : f32 to vector<64x1xf32>
    %mul3A_174 = arith.mulf %mul3A_173, %sub3A_171 : vector<64x1xf32>
    %min3A_175 = arith.constant 8.800000e+01 : f32
    %min3A_176 = vector.broadcast %min3A_175 : f32 to vector<64x1xf32>
    %min3A_177 = arith.minimumf %mul3A_174, %min3A_176 : vector<64x1xf32>
    %sub3A_178 = arith.constant 1.000000e+00 : f32
    %sub3A_179 = vector.broadcast %sub3A_178 : f32 to vector<64x1xf32>
    %sub3A_180 = arith.subf %sub3A_179, %min3A_168 : vector<64x1xf32>
    %mul3A_181 = arith.constant 1.44269502 : f32
    %mul3A_182 = vector.broadcast %mul3A_181 : f32 to vector<64x1xf32>
    %mul3A_183 = arith.mulf %sub3A_180, %mul3A_182 : vector<64x1xf32>
    %add3A_184 = arith.constant -5.770780e+00 : f32
    %add3A_185 = vector.broadcast %add3A_184 : f32 to vector<64x1xf32>
    %add3A_186 = arith.addf %mul3A_183, %add3A_185 : vector<64x1xf32>
    %sub3A_187 = arith.constant -2.000000e+01 : f32
    %sub3A_188 = vector.broadcast %sub3A_187 : f32 to vector<64x1xf32>
    %sub3A_189 = arith.subf %sub3A_188, %min3A_177 : vector<64x1xf32>
    %mul3A_190 = arith.constant 1.44269502 : f32
    %mul3A_191 = vector.broadcast %mul3A_190 : f32 to vector<64x1xf32>
    %mul3A_192 = arith.mulf %sub3A_189, %mul3A_191 : vector<64x1xf32>
    %broadcast_in_dim3A_193 = arith.constant 0.000000e+00 : f32
    %broadcast_in_dim3A_194 = vector.broadcast %broadcast_in_dim3A_193 : f32 to vector<64x64xf32>
    %scan3A_195 = arith.constant 0 : i32
    %scan3A_196 = arith.constant 32 : i32
    %scan3A_197 = arith.addi %scan3A_195, %scan3A_196 : i32
    %scan3A_198 = arith.constant 1 : i32
    %scan3A_199 = scf.for %scan3A_510 = %scan3A_195 to %scan3A_197 step %scan3A_198 iter_args(%scan3A_511 = %broadcast_in_dim3A_194) -> (vector<64x64xf32>)  : i32 {
      %get3A_512 = arith.constant 64 : index
      %get3A_513 = arith.index_cast %scan3A_510 : i32 to index
      %get3A_514 = arith.constant 0 : index
      %get3A_515 = vector.load %arg6[%get3A_512, %get3A_513, %get3A_514] : memref<256x32x128xf32, #tpu.memory_space<vmem>>, vector<64x1x128xf32>
      %get3A_516 = vector.shape_cast %get3A_515 : vector<64x1x128xf32> to vector<64x128xf32>
      %lt3A_517 = arith.constant -5.000000e-01 : f32
      %lt3A_518 = vector.broadcast %lt3A_517 : f32 to vector<64x128xf32>
      %lt3A_519 = arith.cmpf olt, %get3A_516, %lt3A_518 : vector<64x128xf32>
      %jit3A_520 = arith.constant -2.885390e+00 : f32
      %jit3A_521 = arith.constant 5.770780e+01 : f32
      %broadcast_in_dim3A_522 = vector.broadcast %jit3A_520 : f32 to vector<64x128xf32>
      %broadcast_in_dim3A_523 = vector.broadcast %jit3A_521 : f32 to vector<64x128xf32>
      %select_n3A_524 = arith.select %lt3A_519, %broadcast_in_dim3A_522, %broadcast_in_dim3A_523 : vector<64x128xi1>, vector<64x128xf32>
      %broadcast_in_dim3A_525 = vector.shape_cast %add3A_186 : vector<64x1xf32> to vector<64x1xf32>
      %broadcast_in_dim3A_526 = vector.broadcast %broadcast_in_dim3A_525 : vector<64x1xf32> to vector<64x128xf32>
      %broadcast_in_dim3A_527 = vector.shape_cast %mul3A_192 : vector<64x1xf32> to vector<64x1xf32>
      %broadcast_in_dim3A_528 = vector.broadcast %broadcast_in_dim3A_527 : vector<64x1xf32> to vector<64x128xf32>
      %select_n3A_529 = arith.select %lt3A_519, %broadcast_in_dim3A_526, %broadcast_in_dim3A_528 : vector<64x128xi1>, vector<64x128xf32>
      %mul3A_530 = arith.mulf %get3A_516, %select_n3A_524 : vector<64x128xf32>
      %add3A_531 = arith.addf %mul3A_530, %select_n3A_529 : vector<64x128xf32>
      %gt3A = arith.constant 0.000000e+00 : f32
      %gt3A_532 = vector.broadcast %gt3A : f32 to vector<64x128xf32>
      %gt3A_533 = arith.cmpf ogt, %add3A_531, %gt3A_532 : vector<64x128xf32>
      %exp23A = math.exp2 %add3A_531 : vector<64x128xf32>
      %jit3A_534 = arith.constant 0.000000e+00 : f32
      %broadcast_in_dim3A_535 = vector.broadcast %jit3A_534 : f32 to vector<64x128xf32>
      %select_n3A_536 = arith.select %gt3A_533, %exp23A, %broadcast_in_dim3A_535 : vector<64x128xi1>, vector<64x128xf32>
      %get3A_537 = arith.index_cast %scan3A_510 : i32 to index
      %get3A_538 = arith.constant 0 : index
      %get3A_539 = arith.constant 0 : index
      %get3A_540 = vector.load %arg4[%get3A_537, %get3A_538, %get3A_539] : memref<32x128x64xf32, #tpu.memory_space<vmem>>, vector<1x128x64xf32>
      %get3A_541 = vector.shape_cast %get3A_540 : vector<1x128x64xf32> to vector<128x64xf32>
      %dot_general3A = arith.constant dense<0.000000e+00> : vector<64x64xf32>
      %dot_general3A_542 = tpu.matmul %select_n3A_536, %get3A_541, %dot_general3A {dimension_numbers = #tpu.dot_dimension_numbers<[1], [0], [0], [1], [0, 0, 1, 1], [], []>, transpose_lhs_hint = false} : vector<64x128xf32>, vector<128x64xf32>, vector<64x64xf32> -> vector<64x64xf32>
      %add3A_543 = arith.addf %scan3A_511, %dot_general3A_542 : vector<64x64xf32>
      scf.yield %add3A_543 : vector<64x64xf32>
    }
    %scan3A_200 = arith.constant 32 : i32
    %reduce_sum3A_201 = arith.constant dense<0.000000e+00> : vector<64xf32>
    %reduce_sum3A_202 = vector.multi_reduction <add>, %scan3A_199, %reduce_sum3A_201 [1] : vector<64x64xf32> to vector<64xf32>
    %broadcast_in_dim3A_203 = vector.shape_cast %reduce_sum3A_202 : vector<64xf32> to vector<64x1xf32>
    %iota3A_204 = tpu.iota {dimensions = array<i32: 1>} : vector<1x64xi32>
    %eq3A_205 = vector.broadcast %get3A_113 : vector<64x1xi32> to vector<64x64xi32>
    %eq3A_206 = vector.broadcast %iota3A_204 : vector<1x64xi32> to vector<64x64xi32>
    %eq3A_207 = arith.cmpi eq, %eq3A_205, %eq3A_206 : vector<64x64xi32>
    %jit3A_208 = arith.constant 0.000000e+00 : f32
    %broadcast_in_dim3A_209 = vector.broadcast %jit3A_208 : f32 to vector<64x64xf32>
    %select_n3A_210 = arith.select %eq3A_207, %scan3A_199, %broadcast_in_dim3A_209 : vector<64x64xi1>, vector<64x64xf32>
    %reduce_sum3A_211 = arith.constant dense<0.000000e+00> : vector<64xf32>
    %reduce_sum3A_212 = vector.multi_reduction <add>, %select_n3A_210, %reduce_sum3A_211 [1] : vector<64x64xf32> to vector<64xf32>
    %broadcast_in_dim3A_213 = vector.shape_cast %reduce_sum3A_212 : vector<64xf32> to vector<64x1xf32>
    %exp3A_214 = math.exp %min3A_168 : vector<64x1xf32>
    %mul3A_215 = arith.mulf %broadcast_in_dim3A_213, %exp3A_214 : vector<64x1xf32>
    %sub3A_216 = arith.subf %broadcast_in_dim3A_203, %broadcast_in_dim3A_213 : vector<64x1xf32>
    %exp3A_217 = math.exp %min3A_177 : vector<64x1xf32>
    %mul3A_218 = arith.mulf %sub3A_216, %exp3A_217 : vector<64x1xf32>
    %log1p3A_219 = math.log1p %mul3A_215 : vector<64x1xf32>
    %div3A_220 = arith.constant 2.000000e+00 : f32
    %div3A_221 = vector.broadcast %div3A_220 : f32 to vector<64x1xf32>
    %div3A_222 = arith.divf %log1p3A_219, %div3A_221 : vector<64x1xf32>
    %log1p3A_223 = math.log1p %mul3A_218 : vector<64x1xf32>
    %div3A_224 = arith.constant 4.000000e+01 : f32
    %div3A_225 = vector.broadcast %div3A_224 : f32 to vector<64x1xf32>
    %div3A_226 = arith.divf %log1p3A_223, %div3A_225 : vector<64x1xf32>
    %add3A_227 = arith.addf %div3A_222, %div3A_226 : vector<64x1xf32>
    %ne3A_228 = arith.constant 0 : i32
    %ne3A_229 = vector.broadcast %ne3A_228 : i32 to vector<64x1xi32>
    %ne3A_230 = arith.cmpi ne, %get3A_113, %ne3A_229 : vector<64x1xi32>
    %jit3A_231 = arith.constant 0.000000e+00 : f32
    %broadcast_in_dim3A_232 = vector.broadcast %jit3A_231 : f32 to vector<64x1xf32>
    %select_n3A_233 = arith.select %ne3A_230, %add3A_227, %broadcast_in_dim3A_232 : vector<64x1xi1>, vector<64x1xf32>
    %reduce_sum3A_234 = arith.constant dense<0.000000e+00> : vector<1xf32>
    %reduce_sum3A_235 = vector.multi_reduction <add>, %select_n3A_233, %reduce_sum3A_234 [0] : vector<64x1xf32> to vector<1xf32>
    %broadcast_in_dim3A_236 = vector.shape_cast %reduce_sum3A_235 : vector<1xf32> to vector<1x1xf32>
    %mul3A_237 = arith.constant 2.44140625E-4 : f32
    %mul3A_238 = vector.broadcast %mul3A_237 : f32 to vector<1x1xf32>
    %mul3A_239 = arith.mulf %broadcast_in_dim3A_236, %mul3A_238 : vector<1x1xf32>
    %add3A_240 = arith.addf %add3A_110, %mul3A_239 : vector<1x1xf32>
    %get3A_241 = arith.constant 128 : index
    %get3A_242 = arith.constant 0 : index
    %get3A_243 = vector.load %arg3[%get3A_241, %get3A_242] : memref<256x128xi32, #tpu.memory_space<vmem>>, vector<64x1xi32>
    %broadcast_in_dim3A_244 = arith.constant -3.000000e+00 : f32
    %broadcast_in_dim3A_245 = vector.broadcast %broadcast_in_dim3A_244 : f32 to vector<64x128xf32>
    %neg3A_246 = arith.constant 0.000000e+00 : f32
    %neg3A_247 = vector.broadcast %neg3A_246 : f32 to vector<64x128xf32>
    %neg3A_248 = arith.subf %neg3A_247, %broadcast_in_dim3A_245 : vector<64x128xf32>
    %scan3A_249 = arith.constant 0 : i32
    %scan3A_250 = arith.constant 32 : i32
    %scan3A_251 = arith.addi %scan3A_249, %scan3A_250 : i32
    %scan3A_252 = arith.constant 1 : i32
    %scan3A_253:3 = scf.for %scan3A_510 = %scan3A_249 to %scan3A_251 step %scan3A_252 iter_args(%scan3A_511 = %broadcast_in_dim3A_245, %scan3A_512 = %neg3A_248, %scan3A_513 = %broadcast_in_dim3A_245) -> (vector<64x128xf32>, vector<64x128xf32>, vector<64x128xf32>)  : i32 {
      %get3A_514 = arith.constant 128 : index
      %get3A_515 = arith.index_cast %scan3A_510 : i32 to index
      %get3A_516 = arith.constant 0 : index
      %get3A_517 = vector.load %arg1[%get3A_514, %get3A_515, %get3A_516] : memref<256x32x128xf32, #tpu.memory_space<vmem>>, vector<64x1x128xf32>
      %get3A_518 = vector.shape_cast %get3A_517 : vector<64x1x128xf32> to vector<64x128xf32>
      %get3A_519 = arith.constant 0 : index
      %get3A_520 = arith.index_cast %scan3A_510 : i32 to index
      %get3A_521 = arith.constant 0 : index
      %get3A_522 = vector.load %arg2[%get3A_519, %get3A_520, %get3A_521] : memref<1x32x128xi32, #tpu.memory_space<vmem>>, vector<1x1x128xi32>
      %get3A_523 = vector.shape_cast %get3A_522 : vector<1x1x128xi32> to vector<128xi32>
      %reshape3A = vector.shape_cast %get3A_523 : vector<128xi32> to vector<1x128xi32>
      %eq3A_524 = vector.broadcast %get3A_243 : vector<64x1xi32> to vector<64x128xi32>
      %eq3A_525 = vector.broadcast %reshape3A : vector<1x128xi32> to vector<64x128xi32>
      %eq3A_526 = arith.cmpi eq, %eq3A_524, %eq3A_525 : vector<64x128xi32>
      %sub3A_527 = arith.constant 2.000000e+00 : f32
      %sub3A_528 = vector.broadcast %sub3A_527 : f32 to vector<64x128xf32>
      %sub3A_529 = arith.subf %get3A_518, %sub3A_528 : vector<64x128xf32>
      %select_n3A_530 = arith.select %eq3A_526, %sub3A_529, %get3A_518 : vector<64x128xi1>, vector<64x128xf32>
      %swap3A_531 = arith.constant 128 : index
      %swap3A_532 = arith.index_cast %scan3A_510 : i32 to index
      %swap3A_533 = arith.constant 0 : index
      %swap3A_534 = vector.load %arg6[%swap3A_531, %swap3A_532, %swap3A_533] : memref<256x32x128xf32, #tpu.memory_space<vmem>>, vector<64x1x128xf32>
      %swap3A_535 = vector.shape_cast %swap3A_534 : vector<64x1x128xf32> to vector<64x128xf32>
      %swap3A_536 = vector.shape_cast %select_n3A_530 : vector<64x128xf32> to vector<64x1x128xf32>
      tpu.vector_store %arg6[%swap3A_531, %swap3A_532, %swap3A_533], %swap3A_536 {strides = array<i32>} : memref<256x32x128xf32, #tpu.memory_space<vmem>>, vector<64x1x128xf32>,
      %max3A = arith.maximumf %scan3A_511, %get3A_518 : vector<64x128xf32>
      %min3A_537 = arith.minimumf %scan3A_512, %select_n3A_530 : vector<64x128xf32>
      %max3A_538 = arith.maximumf %scan3A_513, %select_n3A_530 : vector<64x128xf32>
      scf.yield %max3A, %min3A_537, %max3A_538 : vector<64x128xf32>, vector<64x128xf32>, vector<64x128xf32>
    }
    %scan3A_254 = arith.constant 32 : i32
    %reduce_max3A_255 = arith.constant dense<0xFF800000> : vector<64xf32>
    %reduce_max3A_256 = vector.multi_reduction <maximumf>, %scan3A_253#0, %reduce_max3A_255 [1] : vector<64x128xf32> to vector<64xf32>
    %broadcast_in_dim3A_257 = vector.shape_cast %reduce_max3A_256 : vector<64xf32> to vector<64x1xf32>
    %reduce_min3A_258 = arith.constant dense<0x7F800000> : vector<64xf32>
    %reduce_min3A_259 = vector.multi_reduction <minimumf>, %scan3A_253#1, %reduce_min3A_258 [1] : vector<64x128xf32> to vector<64xf32>
    %broadcast_in_dim3A_260 = vector.shape_cast %reduce_min3A_259 : vector<64xf32> to vector<64x1xf32>
    %add3A_261 = arith.constant 2.000000e+00 : f32
    %add3A_262 = vector.broadcast %add3A_261 : f32 to vector<64x1xf32>
    %add3A_263 = arith.addf %broadcast_in_dim3A_260, %add3A_262 : vector<64x1xf32>
    %reduce_max3A_264 = arith.constant dense<0xFF800000> : vector<64xf32>
    %reduce_max3A_265 = vector.multi_reduction <maximumf>, %scan3A_253#2, %reduce_max3A_264 [1] : vector<64x128xf32> to vector<64xf32>
    %broadcast_in_dim3A_266 = vector.shape_cast %reduce_max3A_265 : vector<64xf32> to vector<64x1xf32>
    %ge3A_267 = arith.constant -5.000000e-01 : f32
    %ge3A_268 = vector.broadcast %ge3A_267 : f32 to vector<64x1xf32>
    %ge3A_269 = arith.cmpf oge, %broadcast_in_dim3A_266, %ge3A_268 : vector<64x1xf32>
    %jit3A_270 = arith.constant 0xFF800000 : f32
    %broadcast_in_dim3A_271 = vector.broadcast %jit3A_270 : f32 to vector<64x1xf32>
    %select_n3A_272 = arith.select %ge3A_269, %broadcast_in_dim3A_266, %broadcast_in_dim3A_271 : vector<64x1xi1>, vector<64x1xf32>
    %sub3A_273 = arith.constant 9.99999974E-6 : f32
    %sub3A_274 = vector.broadcast %sub3A_273 : f32 to vector<64x1xf32>
    %sub3A_275 = arith.subf %broadcast_in_dim3A_257, %sub3A_274 : vector<64x1xf32>
    %lt3A_276 = arith.cmpf olt, %add3A_263, %sub3A_275 : vector<64x1xf32>
    %jit3A_277 = arith.constant 0x7F800000 : f32
    %broadcast_in_dim3A_278 = vector.broadcast %jit3A_277 : f32 to vector<64x1xf32>
    %select_n3A_279 = arith.select %lt3A_276, %add3A_263, %broadcast_in_dim3A_278 : vector<64x1xi1>, vector<64x1xf32>
    %sub3A_280 = arith.constant 9.99999974E-6 : f32
    %sub3A_281 = vector.broadcast %sub3A_280 : f32 to vector<64x1xf32>
    %sub3A_282 = arith.subf %broadcast_in_dim3A_257, %sub3A_281 : vector<64x1xf32>
    %add3A_283 = arith.constant 1.000000e-01 : f32
    %add3A_284 = vector.broadcast %add3A_283 : f32 to vector<64x1xf32>
    %add3A_285 = arith.addf %select_n3A_272, %add3A_284 : vector<64x1xf32>
    %min3A_286 = arith.minimumf %sub3A_282, %add3A_285 : vector<64x1xf32>
    %sub3A_287 = arith.constant 1.000000e-01 : f32
    %sub3A_288 = vector.broadcast %sub3A_287 : f32 to vector<64x1xf32>
    %sub3A_289 = arith.subf %select_n3A_279, %sub3A_288 : vector<64x1xf32>
    %sub3A_290 = arith.constant 5.000000e-01 : f32
    %sub3A_291 = vector.broadcast %sub3A_290 : f32 to vector<64x1xf32>
    %sub3A_292 = arith.subf %min3A_286, %sub3A_291 : vector<64x1xf32>
    %mul3A_293 = arith.constant -2.000000e+00 : f32
    %mul3A_294 = vector.broadcast %mul3A_293 : f32 to vector<64x1xf32>
    %mul3A_295 = arith.mulf %mul3A_294, %sub3A_292 : vector<64x1xf32>
    %min3A_296 = arith.constant 8.800000e+01 : f32
    %min3A_297 = vector.broadcast %min3A_296 : f32 to vector<64x1xf32>
    %min3A_298 = arith.minimumf %mul3A_295, %min3A_297 : vector<64x1xf32>
    %sub3A_299 = arith.constant 5.000000e-01 : f32
    %sub3A_300 = vector.broadcast %sub3A_299 : f32 to vector<64x1xf32>
    %sub3A_301 = arith.subf %sub3A_289, %sub3A_300 : vector<64x1xf32>
    %mul3A_302 = arith.constant 4.000000e+01 : f32
    %mul3A_303 = vector.broadcast %mul3A_302 : f32 to vector<64x1xf32>
    %mul3A_304 = arith.mulf %mul3A_303, %sub3A_301 : vector<64x1xf32>
    %min3A_305 = arith.constant 8.800000e+01 : f32
    %min3A_306 = vector.broadcast %min3A_305 : f32 to vector<64x1xf32>
    %min3A_307 = arith.minimumf %mul3A_304, %min3A_306 : vector<64x1xf32>
    %sub3A_308 = arith.constant 1.000000e+00 : f32
    %sub3A_309 = vector.broadcast %sub3A_308 : f32 to vector<64x1xf32>
    %sub3A_310 = arith.subf %sub3A_309, %min3A_298 : vector<64x1xf32>
    %mul3A_311 = arith.constant 1.44269502 : f32
    %mul3A_312 = vector.broadcast %mul3A_311 : f32 to vector<64x1xf32>
    %mul3A_313 = arith.mulf %sub3A_310, %mul3A_312 : vector<64x1xf32>
    %add3A_314 = arith.constant -5.770780e+00 : f32
    %add3A_315 = vector.broadcast %add3A_314 : f32 to vector<64x1xf32>
    %add3A_316 = arith.addf %mul3A_313, %add3A_315 : vector<64x1xf32>
    %sub3A_317 = arith.constant -2.000000e+01 : f32
    %sub3A_318 = vector.broadcast %sub3A_317 : f32 to vector<64x1xf32>
    %sub3A_319 = arith.subf %sub3A_318, %min3A_307 : vector<64x1xf32>
    %mul3A_320 = arith.constant 1.44269502 : f32
    %mul3A_321 = vector.broadcast %mul3A_320 : f32 to vector<64x1xf32>
    %mul3A_322 = arith.mulf %sub3A_319, %mul3A_321 : vector<64x1xf32>
    %broadcast_in_dim3A_323 = arith.constant 0.000000e+00 : f32
    %broadcast_in_dim3A_324 = vector.broadcast %broadcast_in_dim3A_323 : f32 to vector<64x64xf32>
    %scan3A_325 = arith.constant 0 : i32
    %scan3A_326 = arith.constant 32 : i32
    %scan3A_327 = arith.addi %scan3A_325, %scan3A_326 : i32
    %scan3A_328 = arith.constant 1 : i32
    %scan3A_329 = scf.for %scan3A_510 = %scan3A_325 to %scan3A_327 step %scan3A_328 iter_args(%scan3A_511 = %broadcast_in_dim3A_324) -> (vector<64x64xf32>)  : i32 {
      %get3A_512 = arith.constant 128 : index
      %get3A_513 = arith.index_cast %scan3A_510 : i32 to index
      %get3A_514 = arith.constant 0 : index
      %get3A_515 = vector.load %arg6[%get3A_512, %get3A_513, %get3A_514] : memref<256x32x128xf32, #tpu.memory_space<vmem>>, vector<64x1x128xf32>
      %get3A_516 = vector.shape_cast %get3A_515 : vector<64x1x128xf32> to vector<64x128xf32>
      %lt3A_517 = arith.constant -5.000000e-01 : f32
      %lt3A_518 = vector.broadcast %lt3A_517 : f32 to vector<64x128xf32>
      %lt3A_519 = arith.cmpf olt, %get3A_516, %lt3A_518 : vector<64x128xf32>
      %jit3A_520 = arith.constant -2.885390e+00 : f32
      %jit3A_521 = arith.constant 5.770780e+01 : f32
      %broadcast_in_dim3A_522 = vector.broadcast %jit3A_520 : f32 to vector<64x128xf32>
      %broadcast_in_dim3A_523 = vector.broadcast %jit3A_521 : f32 to vector<64x128xf32>
      %select_n3A_524 = arith.select %lt3A_519, %broadcast_in_dim3A_522, %broadcast_in_dim3A_523 : vector<64x128xi1>, vector<64x128xf32>
      %broadcast_in_dim3A_525 = vector.shape_cast %add3A_316 : vector<64x1xf32> to vector<64x1xf32>
      %broadcast_in_dim3A_526 = vector.broadcast %broadcast_in_dim3A_525 : vector<64x1xf32> to vector<64x128xf32>
      %broadcast_in_dim3A_527 = vector.shape_cast %mul3A_322 : vector<64x1xf32> to vector<64x1xf32>
      %broadcast_in_dim3A_528 = vector.broadcast %broadcast_in_dim3A_527 : vector<64x1xf32> to vector<64x128xf32>
      %select_n3A_529 = arith.select %lt3A_519, %broadcast_in_dim3A_526, %broadcast_in_dim3A_528 : vector<64x128xi1>, vector<64x128xf32>
      %mul3A_530 = arith.mulf %get3A_516, %select_n3A_524 : vector<64x128xf32>
      %add3A_531 = arith.addf %mul3A_530, %select_n3A_529 : vector<64x128xf32>
      %gt3A = arith.constant 0.000000e+00 : f32
      %gt3A_532 = vector.broadcast %gt3A : f32 to vector<64x128xf32>
      %gt3A_533 = arith.cmpf ogt, %add3A_531, %gt3A_532 : vector<64x128xf32>
      %exp23A = math.exp2 %add3A_531 : vector<64x128xf32>
      %jit3A_534 = arith.constant 0.000000e+00 : f32
      %broadcast_in_dim3A_535 = vector.broadcast %jit3A_534 : f32 to vector<64x128xf32>
      %select_n3A_536 = arith.select %gt3A_533, %exp23A, %broadcast_in_dim3A_535 : vector<64x128xi1>, vector<64x128xf32>
      %get3A_537 = arith.index_cast %scan3A_510 : i32 to index
      %get3A_538 = arith.constant 0 : index
      %get3A_539 = arith.constant 0 : index
      %get3A_540 = vector.load %arg4[%get3A_537, %get3A_538, %get3A_539] : memref<32x128x64xf32, #tpu.memory_space<vmem>>, vector<1x128x64xf32>
      %get3A_541 = vector.shape_cast %get3A_540 : vector<1x128x64xf32> to vector<128x64xf32>
      %dot_general3A = arith.constant dense<0.000000e+00> : vector<64x64xf32>
      %dot_general3A_542 = tpu.matmul %select_n3A_536, %get3A_541, %dot_general3A {dimension_numbers = #tpu.dot_dimension_numbers<[1], [0], [0], [1], [0, 0, 1, 1], [], []>, transpose_lhs_hint = false} : vector<64x128xf32>, vector<128x64xf32>, vector<64x64xf32> -> vector<64x64xf32>
      %add3A_543 = arith.addf %scan3A_511, %dot_general3A_542 : vector<64x64xf32>
      scf.yield %add3A_543 : vector<64x64xf32>
    }
    %scan3A_330 = arith.constant 32 : i32
    %reduce_sum3A_331 = arith.constant dense<0.000000e+00> : vector<64xf32>
    %reduce_sum3A_332 = vector.multi_reduction <add>, %scan3A_329, %reduce_sum3A_331 [1] : vector<64x64xf32> to vector<64xf32>
    %broadcast_in_dim3A_333 = vector.shape_cast %reduce_sum3A_332 : vector<64xf32> to vector<64x1xf32>
    %iota3A_334 = tpu.iota {dimensions = array<i32: 1>} : vector<1x64xi32>
    %eq3A_335 = vector.broadcast %get3A_243 : vector<64x1xi32> to vector<64x64xi32>
    %eq3A_336 = vector.broadcast %iota3A_334 : vector<1x64xi32> to vector<64x64xi32>
    %eq3A_337 = arith.cmpi eq, %eq3A_335, %eq3A_336 : vector<64x64xi32>
    %jit3A_338 = arith.constant 0.000000e+00 : f32
    %broadcast_in_dim3A_339 = vector.broadcast %jit3A_338 : f32 to vector<64x64xf32>
    %select_n3A_340 = arith.select %eq3A_337, %scan3A_329, %broadcast_in_dim3A_339 : vector<64x64xi1>, vector<64x64xf32>
    %reduce_sum3A_341 = arith.constant dense<0.000000e+00> : vector<64xf32>
    %reduce_sum3A_342 = vector.multi_reduction <add>, %select_n3A_340, %reduce_sum3A_341 [1] : vector<64x64xf32> to vector<64xf32>
    %broadcast_in_dim3A_343 = vector.shape_cast %reduce_sum3A_342 : vector<64xf32> to vector<64x1xf32>
    %exp3A_344 = math.exp %min3A_298 : vector<64x1xf32>
    %mul3A_345 = arith.mulf %broadcast_in_dim3A_343, %exp3A_344 : vector<64x1xf32>
    %sub3A_346 = arith.subf %broadcast_in_dim3A_333, %broadcast_in_dim3A_343 : vector<64x1xf32>
    %exp3A_347 = math.exp %min3A_307 : vector<64x1xf32>
    %mul3A_348 = arith.mulf %sub3A_346, %exp3A_347 : vector<64x1xf32>
    %log1p3A_349 = math.log1p %mul3A_345 : vector<64x1xf32>
    %div3A_350 = arith.constant 2.000000e+00 : f32
    %div3A_351 = vector.broadcast %div3A_350 : f32 to vector<64x1xf32>
    %div3A_352 = arith.divf %log1p3A_349, %div3A_351 : vector<64x1xf32>
    %log1p3A_353 = math.log1p %mul3A_348 : vector<64x1xf32>
    %div3A_354 = arith.constant 4.000000e+01 : f32
    %div3A_355 = vector.broadcast %div3A_354 : f32 to vector<64x1xf32>
    %div3A_356 = arith.divf %log1p3A_353, %div3A_355 : vector<64x1xf32>
    %add3A_357 = arith.addf %div3A_352, %div3A_356 : vector<64x1xf32>
    %ne3A_358 = arith.constant 0 : i32
    %ne3A_359 = vector.broadcast %ne3A_358 : i32 to vector<64x1xi32>
    %ne3A_360 = arith.cmpi ne, %get3A_243, %ne3A_359 : vector<64x1xi32>
    %jit3A_361 = arith.constant 0.000000e+00 : f32
    %broadcast_in_dim3A_362 = vector.broadcast %jit3A_361 : f32 to vector<64x1xf32>
    %select_n3A_363 = arith.select %ne3A_360, %add3A_357, %broadcast_in_dim3A_362 : vector<64x1xi1>, vector<64x1xf32>
    %reduce_sum3A_364 = arith.constant dense<0.000000e+00> : vector<1xf32>
    %reduce_sum3A_365 = vector.multi_reduction <add>, %select_n3A_363, %reduce_sum3A_364 [0] : vector<64x1xf32> to vector<1xf32>
    %broadcast_in_dim3A_366 = vector.shape_cast %reduce_sum3A_365 : vector<1xf32> to vector<1x1xf32>
    %mul3A_367 = arith.constant 2.44140625E-4 : f32
    %mul3A_368 = vector.broadcast %mul3A_367 : f32 to vector<1x1xf32>
    %mul3A_369 = arith.mulf %broadcast_in_dim3A_366, %mul3A_368 : vector<1x1xf32>
    %add3A_370 = arith.addf %add3A_240, %mul3A_369 : vector<1x1xf32>
    %get3A_371 = arith.constant 192 : index
    %get3A_372 = arith.constant 0 : index
    %get3A_373 = vector.load %arg3[%get3A_371, %get3A_372] : memref<256x128xi32, #tpu.memory_space<vmem>>, vector<64x1xi32>
    %broadcast_in_dim3A_374 = arith.constant -3.000000e+00 : f32
    %broadcast_in_dim3A_375 = vector.broadcast %broadcast_in_dim3A_374 : f32 to vector<64x128xf32>
    %neg3A_376 = arith.constant 0.000000e+00 : f32
    %neg3A_377 = vector.broadcast %neg3A_376 : f32 to vector<64x128xf32>
    %neg3A_378 = arith.subf %neg3A_377, %broadcast_in_dim3A_375 : vector<64x128xf32>
    %scan3A_379 = arith.constant 0 : i32
    %scan3A_380 = arith.constant 32 : i32
    %scan3A_381 = arith.addi %scan3A_379, %scan3A_380 : i32
    %scan3A_382 = arith.constant 1 : i32
    %scan3A_383:3 = scf.for %scan3A_510 = %scan3A_379 to %scan3A_381 step %scan3A_382 iter_args(%scan3A_511 = %broadcast_in_dim3A_375, %scan3A_512 = %neg3A_378, %scan3A_513 = %broadcast_in_dim3A_375) -> (vector<64x128xf32>, vector<64x128xf32>, vector<64x128xf32>)  : i32 {
      %get3A_514 = arith.constant 192 : index
      %get3A_515 = arith.index_cast %scan3A_510 : i32 to index
      %get3A_516 = arith.constant 0 : index
      %get3A_517 = vector.load %arg1[%get3A_514, %get3A_515, %get3A_516] : memref<256x32x128xf32, #tpu.memory_space<vmem>>, vector<64x1x128xf32>
      %get3A_518 = vector.shape_cast %get3A_517 : vector<64x1x128xf32> to vector<64x128xf32>
      %get3A_519 = arith.constant 0 : index
      %get3A_520 = arith.index_cast %scan3A_510 : i32 to index
      %get3A_521 = arith.constant 0 : index
      %get3A_522 = vector.load %arg2[%get3A_519, %get3A_520, %get3A_521] : memref<1x32x128xi32, #tpu.memory_space<vmem>>, vector<1x1x128xi32>
      %get3A_523 = vector.shape_cast %get3A_522 : vector<1x1x128xi32> to vector<128xi32>
      %reshape3A = vector.shape_cast %get3A_523 : vector<128xi32> to vector<1x128xi32>
      %eq3A_524 = vector.broadcast %get3A_373 : vector<64x1xi32> to vector<64x128xi32>
      %eq3A_525 = vector.broadcast %reshape3A : vector<1x128xi32> to vector<64x128xi32>
      %eq3A_526 = arith.cmpi eq, %eq3A_524, %eq3A_525 : vector<64x128xi32>
      %sub3A_527 = arith.constant 2.000000e+00 : f32
      %sub3A_528 = vector.broadcast %sub3A_527 : f32 to vector<64x128xf32>
      %sub3A_529 = arith.subf %get3A_518, %sub3A_528 : vector<64x128xf32>
      %select_n3A_530 = arith.select %eq3A_526, %sub3A_529, %get3A_518 : vector<64x128xi1>, vector<64x128xf32>
      %swap3A_531 = arith.constant 192 : index
      %swap3A_532 = arith.index_cast %scan3A_510 : i32 to index
      %swap3A_533 = arith.constant 0 : index
      %swap3A_534 = vector.load %arg6[%swap3A_531, %swap3A_532, %swap3A_533] : memref<256x32x128xf32, #tpu.memory_space<vmem>>, vector<64x1x128xf32>
      %swap3A_535 = vector.shape_cast %swap3A_534 : vector<64x1x128xf32> to vector<64x128xf32>
      %swap3A_536 = vector.shape_cast %select_n3A_530 : vector<64x128xf32> to vector<64x1x128xf32>
      tpu.vector_store %arg6[%swap3A_531, %swap3A_532, %swap3A_533], %swap3A_536 {strides = array<i32>} : memref<256x32x128xf32, #tpu.memory_space<vmem>>, vector<64x1x128xf32>,
      %max3A = arith.maximumf %scan3A_511, %get3A_518 : vector<64x128xf32>
      %min3A_537 = arith.minimumf %scan3A_512, %select_n3A_530 : vector<64x128xf32>
      %max3A_538 = arith.maximumf %scan3A_513, %select_n3A_530 : vector<64x128xf32>
      scf.yield %max3A, %min3A_537, %max3A_538 : vector<64x128xf32>, vector<64x128xf32>, vector<64x128xf32>
    }
    %scan3A_384 = arith.constant 32 : i32
    %reduce_max3A_385 = arith.constant dense<0xFF800000> : vector<64xf32>
    %reduce_max3A_386 = vector.multi_reduction <maximumf>, %scan3A_383#0, %reduce_max3A_385 [1] : vector<64x128xf32> to vector<64xf32>
    %broadcast_in_dim3A_387 = vector.shape_cast %reduce_max3A_386 : vector<64xf32> to vector<64x1xf32>
    %reduce_min3A_388 = arith.constant dense<0x7F800000> : vector<64xf32>
    %reduce_min3A_389 = vector.multi_reduction <minimumf>, %scan3A_383#1, %reduce_min3A_388 [1] : vector<64x128xf32> to vector<64xf32>
    %broadcast_in_dim3A_390 = vector.shape_cast %reduce_min3A_389 : vector<64xf32> to vector<64x1xf32>
    %add3A_391 = arith.constant 2.000000e+00 : f32
    %add3A_392 = vector.broadcast %add3A_391 : f32 to vector<64x1xf32>
    %add3A_393 = arith.addf %broadcast_in_dim3A_390, %add3A_392 : vector<64x1xf32>
    %reduce_max3A_394 = arith.constant dense<0xFF800000> : vector<64xf32>
    %reduce_max3A_395 = vector.multi_reduction <maximumf>, %scan3A_383#2, %reduce_max3A_394 [1] : vector<64x128xf32> to vector<64xf32>
    %broadcast_in_dim3A_396 = vector.shape_cast %reduce_max3A_395 : vector<64xf32> to vector<64x1xf32>
    %ge3A_397 = arith.constant -5.000000e-01 : f32
    %ge3A_398 = vector.broadcast %ge3A_397 : f32 to vector<64x1xf32>
    %ge3A_399 = arith.cmpf oge, %broadcast_in_dim3A_396, %ge3A_398 : vector<64x1xf32>
    %jit3A_400 = arith.constant 0xFF800000 : f32
    %broadcast_in_dim3A_401 = vector.broadcast %jit3A_400 : f32 to vector<64x1xf32>
    %select_n3A_402 = arith.select %ge3A_399, %broadcast_in_dim3A_396, %broadcast_in_dim3A_401 : vector<64x1xi1>, vector<64x1xf32>
    %sub3A_403 = arith.constant 9.99999974E-6 : f32
    %sub3A_404 = vector.broadcast %sub3A_403 : f32 to vector<64x1xf32>
    %sub3A_405 = arith.subf %broadcast_in_dim3A_387, %sub3A_404 : vector<64x1xf32>
    %lt3A_406 = arith.cmpf olt, %add3A_393, %sub3A_405 : vector<64x1xf32>
    %jit3A_407 = arith.constant 0x7F800000 : f32
    %broadcast_in_dim3A_408 = vector.broadcast %jit3A_407 : f32 to vector<64x1xf32>
    %select_n3A_409 = arith.select %lt3A_406, %add3A_393, %broadcast_in_dim3A_408 : vector<64x1xi1>, vector<64x1xf32>
    %sub3A_410 = arith.constant 9.99999974E-6 : f32
    %sub3A_411 = vector.broadcast %sub3A_410 : f32 to vector<64x1xf32>
    %sub3A_412 = arith.subf %broadcast_in_dim3A_387, %sub3A_411 : vector<64x1xf32>
    %add3A_413 = arith.constant 1.000000e-01 : f32
    %add3A_414 = vector.broadcast %add3A_413 : f32 to vector<64x1xf32>
    %add3A_415 = arith.addf %select_n3A_402, %add3A_414 : vector<64x1xf32>
    %min3A_416 = arith.minimumf %sub3A_412, %add3A_415 : vector<64x1xf32>
    %sub3A_417 = arith.constant 1.000000e-01 : f32
    %sub3A_418 = vector.broadcast %sub3A_417 : f32 to vector<64x1xf32>
    %sub3A_419 = arith.subf %select_n3A_409, %sub3A_418 : vector<64x1xf32>
    %sub3A_420 = arith.constant 5.000000e-01 : f32
    %sub3A_421 = vector.broadcast %sub3A_420 : f32 to vector<64x1xf32>
    %sub3A_422 = arith.subf %min3A_416, %sub3A_421 : vector<64x1xf32>
    %mul3A_423 = arith.constant -2.000000e+00 : f32
    %mul3A_424 = vector.broadcast %mul3A_423 : f32 to vector<64x1xf32>
    %mul3A_425 = arith.mulf %mul3A_424, %sub3A_422 : vector<64x1xf32>
    %min3A_426 = arith.constant 8.800000e+01 : f32
    %min3A_427 = vector.broadcast %min3A_426 : f32 to vector<64x1xf32>
    %min3A_428 = arith.minimumf %mul3A_425, %min3A_427 : vector<64x1xf32>
    %sub3A_429 = arith.constant 5.000000e-01 : f32
    %sub3A_430 = vector.broadcast %sub3A_429 : f32 to vector<64x1xf32>
    %sub3A_431 = arith.subf %sub3A_419, %sub3A_430 : vector<64x1xf32>
    %mul3A_432 = arith.constant 4.000000e+01 : f32
    %mul3A_433 = vector.broadcast %mul3A_432 : f32 to vector<64x1xf32>
    %mul3A_434 = arith.mulf %mul3A_433, %sub3A_431 : vector<64x1xf32>
    %min3A_435 = arith.constant 8.800000e+01 : f32
    %min3A_436 = vector.broadcast %min3A_435 : f32 to vector<64x1xf32>
    %min3A_437 = arith.minimumf %mul3A_434, %min3A_436 : vector<64x1xf32>
    %sub3A_438 = arith.constant 1.000000e+00 : f32
    %sub3A_439 = vector.broadcast %sub3A_438 : f32 to vector<64x1xf32>
    %sub3A_440 = arith.subf %sub3A_439, %min3A_428 : vector<64x1xf32>
    %mul3A_441 = arith.constant 1.44269502 : f32
    %mul3A_442 = vector.broadcast %mul3A_441 : f32 to vector<64x1xf32>
    %mul3A_443 = arith.mulf %sub3A_440, %mul3A_442 : vector<64x1xf32>
    %add3A_444 = arith.constant -5.770780e+00 : f32
    %add3A_445 = vector.broadcast %add3A_444 : f32 to vector<64x1xf32>
    %add3A_446 = arith.addf %mul3A_443, %add3A_445 : vector<64x1xf32>
    %sub3A_447 = arith.constant -2.000000e+01 : f32
    %sub3A_448 = vector.broadcast %sub3A_447 : f32 to vector<64x1xf32>
    %sub3A_449 = arith.subf %sub3A_448, %min3A_437 : vector<64x1xf32>
    %mul3A_450 = arith.constant 1.44269502 : f32
    %mul3A_451 = vector.broadcast %mul3A_450 : f32 to vector<64x1xf32>
    %mul3A_452 = arith.mulf %sub3A_449, %mul3A_451 : vector<64x1xf32>
    %broadcast_in_dim3A_453 = arith.constant 0.000000e+00 : f32
    %broadcast_in_dim3A_454 = vector.broadcast %broadcast_in_dim3A_453 : f32 to vector<64x64xf32>
    %scan3A_455 = arith.constant 0 : i32
    %scan3A_456 = arith.constant 32 : i32
    %scan3A_457 = arith.addi %scan3A_455, %scan3A_456 : i32
    %scan3A_458 = arith.constant 1 : i32
    %scan3A_459 = scf.for %scan3A_510 = %scan3A_455 to %scan3A_457 step %scan3A_458 iter_args(%scan3A_511 = %broadcast_in_dim3A_454) -> (vector<64x64xf32>)  : i32 {
      %get3A_512 = arith.constant 192 : index
      %get3A_513 = arith.index_cast %scan3A_510 : i32 to index
      %get3A_514 = arith.constant 0 : index
      %get3A_515 = vector.load %arg6[%get3A_512, %get3A_513, %get3A_514] : memref<256x32x128xf32, #tpu.memory_space<vmem>>, vector<64x1x128xf32>
      %get3A_516 = vector.shape_cast %get3A_515 : vector<64x1x128xf32> to vector<64x128xf32>
      %lt3A_517 = arith.constant -5.000000e-01 : f32
      %lt3A_518 = vector.broadcast %lt3A_517 : f32 to vector<64x128xf32>
      %lt3A_519 = arith.cmpf olt, %get3A_516, %lt3A_518 : vector<64x128xf32>
      %jit3A_520 = arith.constant -2.885390e+00 : f32
      %jit3A_521 = arith.constant 5.770780e+01 : f32
      %broadcast_in_dim3A_522 = vector.broadcast %jit3A_520 : f32 to vector<64x128xf32>
      %broadcast_in_dim3A_523 = vector.broadcast %jit3A_521 : f32 to vector<64x128xf32>
      %select_n3A_524 = arith.select %lt3A_519, %broadcast_in_dim3A_522, %broadcast_in_dim3A_523 : vector<64x128xi1>, vector<64x128xf32>
      %broadcast_in_dim3A_525 = vector.shape_cast %add3A_446 : vector<64x1xf32> to vector<64x1xf32>
      %broadcast_in_dim3A_526 = vector.broadcast %broadcast_in_dim3A_525 : vector<64x1xf32> to vector<64x128xf32>
      %broadcast_in_dim3A_527 = vector.shape_cast %mul3A_452 : vector<64x1xf32> to vector<64x1xf32>
      %broadcast_in_dim3A_528 = vector.broadcast %broadcast_in_dim3A_527 : vector<64x1xf32> to vector<64x128xf32>
      %select_n3A_529 = arith.select %lt3A_519, %broadcast_in_dim3A_526, %broadcast_in_dim3A_528 : vector<64x128xi1>, vector<64x128xf32>
      %mul3A_530 = arith.mulf %get3A_516, %select_n3A_524 : vector<64x128xf32>
      %add3A_531 = arith.addf %mul3A_530, %select_n3A_529 : vector<64x128xf32>
      %gt3A = arith.constant 0.000000e+00 : f32
      %gt3A_532 = vector.broadcast %gt3A : f32 to vector<64x128xf32>
      %gt3A_533 = arith.cmpf ogt, %add3A_531, %gt3A_532 : vector<64x128xf32>
      %exp23A = math.exp2 %add3A_531 : vector<64x128xf32>
      %jit3A_534 = arith.constant 0.000000e+00 : f32
      %broadcast_in_dim3A_535 = vector.broadcast %jit3A_534 : f32 to vector<64x128xf32>
      %select_n3A_536 = arith.select %gt3A_533, %exp23A, %broadcast_in_dim3A_535 : vector<64x128xi1>, vector<64x128xf32>
      %get3A_537 = arith.index_cast %scan3A_510 : i32 to index
      %get3A_538 = arith.constant 0 : index
      %get3A_539 = arith.constant 0 : index
      %get3A_540 = vector.load %arg4[%get3A_537, %get3A_538, %get3A_539] : memref<32x128x64xf32, #tpu.memory_space<vmem>>, vector<1x128x64xf32>
      %get3A_541 = vector.shape_cast %get3A_540 : vector<1x128x64xf32> to vector<128x64xf32>
      %dot_general3A = arith.constant dense<0.000000e+00> : vector<64x64xf32>
      %dot_general3A_542 = tpu.matmul %select_n3A_536, %get3A_541, %dot_general3A {dimension_numbers = #tpu.dot_dimension_numbers<[1], [0], [0], [1], [0, 0, 1, 1], [], []>, transpose_lhs_hint = false} : vector<64x128xf32>, vector<128x64xf32>, vector<64x64xf32> -> vector<64x64xf32>
      %add3A_543 = arith.addf %scan3A_511, %dot_general3A_542 : vector<64x64xf32>
      scf.yield %add3A_543 : vector<64x64xf32>
    }
    %scan3A_460 = arith.constant 32 : i32
    %reduce_sum3A_461 = arith.constant dense<0.000000e+00> : vector<64xf32>
    %reduce_sum3A_462 = vector.multi_reduction <add>, %scan3A_459, %reduce_sum3A_461 [1] : vector<64x64xf32> to vector<64xf32>
    %broadcast_in_dim3A_463 = vector.shape_cast %reduce_sum3A_462 : vector<64xf32> to vector<64x1xf32>
    %iota3A_464 = tpu.iota {dimensions = array<i32: 1>} : vector<1x64xi32>
    %eq3A_465 = vector.broadcast %get3A_373 : vector<64x1xi32> to vector<64x64xi32>
    %eq3A_466 = vector.broadcast %iota3A_464 : vector<1x64xi32> to vector<64x64xi32>
    %eq3A_467 = arith.cmpi eq, %eq3A_465, %eq3A_466 : vector<64x64xi32>
    %jit3A_468 = arith.constant 0.000000e+00 : f32
    %broadcast_in_dim3A_469 = vector.broadcast %jit3A_468 : f32 to vector<64x64xf32>
    %select_n3A_470 = arith.select %eq3A_467, %scan3A_459, %broadcast_in_dim3A_469 : vector<64x64xi1>, vector<64x64xf32>
    %reduce_sum3A_471 = arith.constant dense<0.000000e+00> : vector<64xf32>
    %reduce_sum3A_472 = vector.multi_reduction <add>, %select_n3A_470, %reduce_sum3A_471 [1] : vector<64x64xf32> to vector<64xf32>
    %broadcast_in_dim3A_473 = vector.shape_cast %reduce_sum3A_472 : vector<64xf32> to vector<64x1xf32>
    %exp3A_474 = math.exp %min3A_428 : vector<64x1xf32>
    %mul3A_475 = arith.mulf %broadcast_in_dim3A_473, %exp3A_474 : vector<64x1xf32>
    %sub3A_476 = arith.subf %broadcast_in_dim3A_463, %broadcast_in_dim3A_473 : vector<64x1xf32>
    %exp3A_477 = math.exp %min3A_437 : vector<64x1xf32>
    %mul3A_478 = arith.mulf %sub3A_476, %exp3A_477 : vector<64x1xf32>
    %log1p3A_479 = math.log1p %mul3A_475 : vector<64x1xf32>
    %div3A_480 = arith.constant 2.000000e+00 : f32
    %div3A_481 = vector.broadcast %div3A_480 : f32 to vector<64x1xf32>
    %div3A_482 = arith.divf %log1p3A_479, %div3A_481 : vector<64x1xf32>
    %log1p3A_483 = math.log1p %mul3A_478 : vector<64x1xf32>
    %div3A_484 = arith.constant 4.000000e+01 : f32
    %div3A_485 = vector.broadcast %div3A_484 : f32 to vector<64x1xf32>
    %div3A_486 = arith.divf %log1p3A_483, %div3A_485 : vector<64x1xf32>
    %add3A_487 = arith.addf %div3A_482, %div3A_486 : vector<64x1xf32>
    %ne3A_488 = arith.constant 0 : i32
    %ne3A_489 = vector.broadcast %ne3A_488 : i32 to vector<64x1xi32>
    %ne3A_490 = arith.cmpi ne, %get3A_373, %ne3A_489 : vector<64x1xi32>
    %jit3A_491 = arith.constant 0.000000e+00 : f32
    %broadcast_in_dim3A_492 = vector.broadcast %jit3A_491 : f32 to vector<64x1xf32>
    %select_n3A_493 = arith.select %ne3A_490, %add3A_487, %broadcast_in_dim3A_492 : vector<64x1xi1>, vector<64x1xf32>
    %reduce_sum3A_494 = arith.constant dense<0.000000e+00> : vector<1xf32>
    %reduce_sum3A_495 = vector.multi_reduction <add>, %select_n3A_493, %reduce_sum3A_494 [0] : vector<64x1xf32> to vector<1xf32>
    %broadcast_in_dim3A_496 = vector.shape_cast %reduce_sum3A_495 : vector<1xf32> to vector<1x1xf32>
    %mul3A_497 = arith.constant 2.44140625E-4 : f32
    %mul3A_498 = vector.broadcast %mul3A_497 : f32 to vector<1x1xf32>
    %mul3A_499 = arith.mulf %broadcast_in_dim3A_496, %mul3A_498 : vector<1x1xf32>
    %add3A_500 = arith.addf %add3A_370, %mul3A_499 : vector<1x1xf32>
    %eq3A_501 = arith.constant 0 : i32
    %eq3A_502 = arith.cmpi eq, %arg0, %eq3A_501 : i32
    %convert_element_type3A = arith.extui %eq3A_502 : i1 to i32
    %cond3A = arith.constant 0 : i32
    %cond3A_503 = arith.cmpi ne, %convert_element_type3A, %cond3A : i32
    scf.if %cond3A_503 {
      %broadcast_in_dim3A_510 = arith.constant 0.000000e+00 : f32
      %broadcast_in_dim3A_511 = vector.broadcast %broadcast_in_dim3A_510 : f32 to vector<1x1xf32>
      %swap3A_512 = arith.constant 0 : index
      %swap3A_513 = arith.constant 0 : index
      %swap3A_514 = vector.load %arg5[%swap3A_512, %swap3A_513] : memref<1x1xf32, #tpu.memory_space<vmem>>, vector<1x1xf32>
      tpu.vector_store %arg5[%swap3A_512, %swap3A_513], %broadcast_in_dim3A_511 {strides = array<i32>} : memref<1x1xf32, #tpu.memory_space<vmem>>, vector<1x1xf32>,
    } else {
    }
    %get3A_504 = arith.constant 0 : index
    %get3A_505 = arith.constant 0 : index
    %get3A_506 = vector.load %arg5[%get3A_504, %get3A_505] : memref<1x1xf32, #tpu.memory_space<vmem>>, vector<1x1xf32>
    %add3A_507 = arith.addf %get3A_506, %add3A_500 : vector<1x1xf32>
    %swap3A = arith.constant 0 : index
    %swap3A_508 = arith.constant 0 : index
    %swap3A_509 = vector.load %arg5[%swap3A, %swap3A_508] : memref<1x1xf32, #tpu.memory_space<vmem>>, vector<1x1xf32>
    tpu.vector_store %arg5[%swap3A, %swap3A_508], %add3A_507 {strides = array<i32>} : memref<1x1xf32, #tpu.memory_space<vmem>>, vector<1x1xf32>,
    return
  }
  func.func @transform_0(%arg0: i32) -> (i32, i32, i32) {
    %c0_i32 = arith.constant 0 : i32
    %c0_i32_0 = arith.constant 0 : i32
    %c0_i32_1 = arith.constant 0 : i32
    return %arg0, %c0_i32, %c0_i32_0 : i32, i32, i32
  }
  func.func @transform_1(%arg0: i32) -> (i32, i32, i32) {
    %c0_i32 = arith.constant 0 : i32
    %c0_i32_0 = arith.constant 0 : i32
    %c0_i32_1 = arith.constant 0 : i32
    %c0_i32_2 = arith.constant 0 : i32
    return %c0_i32, %c0_i32_0, %c0_i32_1 : i32, i32, i32
  }
  func.func @transform_2(%arg0: i32) -> (i32, i32) {
    %c0_i32 = arith.constant 0 : i32
    %c0_i32_0 = arith.constant 0 : i32
    return %arg0, %c0_i32 : i32, i32
  }
  func.func @transform_3(%arg0: i32) -> (i32, i32, i32) {
    %c0_i32 = arith.constant 0 : i32
    %c0_i32_0 = arith.constant 0 : i32
    %c0_i32_1 = arith.constant 0 : i32
    %c0_i32_2 = arith.constant 0 : i32
    return %c0_i32, %c0_i32_0, %c0_i32_1 : i32, i32, i32
  }
  func.func @transform_4(%arg0: i32) -> (i32, i32) {
    %c0_i32 = arith.constant 0 : i32
    %c0_i32_0 = arith.constant 0 : i32
    %c0_i32_1 = arith.constant 0 : i32
    return %c0_i32, %c0_i32_0 : i32, i32
  }
}

</mosaic_0001>

<sc_bundles>
// kernel: sparse-core-data-format-call.cloned.1.call-start
scs
called_computation_lowered:
.L_overlay_start_0:
0x0: {  	s2 =	sld [smem:$0x3FD9]  }
0x1: {  	s3 =	sld [smem:$0x3FFE];
	_ =	sdelay $0x1  }
0x2: {  	s1 =	srdreg.scid  }
0x3: {  	s0 =	sand.u32 $0x1, s1  }
0x4: {  	s18 =	sshll.u32 s0, $0xA;
	s2 =	sadd.s32 s3, s2  }
0x5: {  	s2 =	sadd.s32 s2, s18  }
0x6: {  	[smem:$0x3FC6] =	sst s2  }
0x7: {  	_ = 	snop  }
0x8: {  	s2 =	sld [smem:$0x3FC9];
	(tm) =	ssettm $0x1  }
0x9: {  	s19 =	sld [smem:$0x3FFB];
	_ =	sdelay $0x3  }
0xa: {  	_ =	strace s19  }
0xb: {  	s3 =	sld [smem:$0x3FFC];
	_ =	sdelay $0x3  }
0xc: {  	_ =	strace s3  }
0xd: {  	s3 =	sld [smem:$0x3FFD];
	_ =	sdelay $0x3  }
0xe: {  	_ =	strace s3  }
0xf: {  	_ =	strace $0x8FFFFFFF  }
0x10: {  	s20 =	sld [smem:$0x3FDB];
	_ =	sdelay $0x1  }
0x11: {  	s4 =	simm.s32 $_scs_section_size  }
0x12: {  	s5 =	simm.s32 $_size__tile_overlayer_lowered;
	s6 =	simm.s32 $_tile_overlayer_lowered  }
0x13: {  	s23 =	simm.s32 $0x1BFF;
	s22 =	sshll.u32 s6, $0x1;
	s3 =	sadd.s32 s4, s20  }
0x14: {  	s7 =	simm.s32 $0x0;
	s21 =	sshll.u32 s5, $0x1;
	s5 =	sadd.s32 s22, s3  }
0x15: {  	[timem:s7], [sflag:s23] =	dma.local [hbm:s5], s21  }
0x16: {  	_ =	swait.ge [sflag:s23], s21  }
0x17: {  	s4 =	ssub.s32 $0x0, s21;
	[sflag:s23] =	ssyncset.done $0x0  }
0x18: {  	[sflag:s23] =	ssyncadd.s32 s4;
	_ =	sdelay $0x1  }
0x19: {  	s24 =	simm.s32 $0x1B8B  }
0x1a: {  	_ =	swait.ge [sflag:s24], $0x1  }
0x1b: {  	[sflag:s24] =	ssyncset.done $0x0  }
0x1c: {  	s26 =	simm.s32 $0x1B8E;
	s25 =	sld [smem:$0x3FFE];
	[sflag:s24] =	ssyncadd.s32 $0xFFFFFFFF  }
0x1d: {  	s27 =	simm.s32 $execute0_lowered;
	[smem:$0x3FD2] =	sst s26  }
0x1e: {  	s5 =	sshll.u32 s27, $0x1;
	_ =	strace $0x80000046;
	[dreg:$0x1] =	wrdreg $0xFFFFFFFF  }
0x1f: {  	s28 =	simm.s32 $_size_execute0_lowered;
	s3 =	sadd.s32 s3, s5;
	[dreg:$0x0] =	wrdreg $0x0  }
0x20: {  	s5 =	sshll.u32 s28, $0x1;
	[dreg:$0x2] =	wrdreg s3  }
0x21: {  	[dreg:$0x3] =	wrdreg s5  }
0x22: {  	[dreg:$0x4] =	wrdreg $0xC0  }
0x23: {  	_ =	task [dreg:s7], $0x5FFFF  }
0x24: {  	[dreg:$0x1] =	wrdreg $0xFFFFFFFF  }
0x25: {  	[dreg:$0x0] =	wrdreg $0x60  }
0x26: {  	[dreg:$0x2] =	wrdreg s2  }
0x27: {  	[dreg:$0x3] =	wrdreg s25  }
0x28: {  	[dreg:$0x4] =	wrdreg $0x9  }
0x29: {  	_ =	task.clear_ibuf [dreg:s7], $0x5FFFF;
	_ =	strace $0x90000046  }
0x2a: {  	s29 =	simm.s32 $0x9;
	_ =	strace $0x80000048  }
0x2b: {  	_ =	swait.ge [sflag:s29], $0x1  }
0x2c: {  	[sflag:s29] =	ssyncadd.s32 $0xFFFFFFFF  }
0x2d: {  	_ =	strace $0x90000048  }
0x2e: {  	_ =	sfence  }
0x2f: {  	s30 =	sld [smem:$0x0];
	_ =	sdelay $0x2  }
0x30: {  	s31 =	sshll.u32 s1, $0xD;
	s1 =	sshrl.u32 s1, $0x2  }
0x31: {  	s3 =	sand.u32 $0x4000, s31;
	s1 =	sadd.s32 s1, s30  }
0x32: {  	s0 =	sor.u32 s3, s0;
	s1 =	sshll.u32 s1, $0x11  }
0x33: {  	s0 =	sor.u32 s1, s0  }
0x34: {  	s0 =	sadd.s32 $0x8F2B, s0  }
0x35: {  	[sflag:s0] =	ssyncadd.remote.s32 $0x1  }
0x36: {  	_ =	sfence.sel $0xFFFF  }
0x37: {  	[dreg:$0x0] =	wrdreg $0xFFFFFFFF;
	(pc) =	sbr.abs _section_cstart, $3  }
0x38: {  	[dreg:$0x1] =	wrdreg $0xFFFFFFFF  }
0x39: {  	_ =	task.clear_ibuf [dreg:s7], $0x2FFFF;
	_ =	strace $0x9FFFFFFF  }
0x3a: {  	(tm) =	ssettm $0x7FFFFFFF  }
0x3b: {  	_ =	shalt  }
tec
execute0_lowered:
.L_overlay_start_1:
0x0: {  	(tag) =	ssettag $0x1  }
0x1: {  	s2 =	rddreg [dreg:$0x0]  }
0x2: {  	s1 =	rddreg [dreg:$0x1]  }
0x3: {  	s0 =	rddreg [dreg:$0x2];
	_ =	strace $0x80000047;
	s4 =	srdreg.scid  }
0x4: {  	s6 =	simm.s32 $0x2;
	s11 =	simm.s32 $0x0;
	p0 =	por $0x0, $0x0  }
.Ltmp0:
0x5: {  	s7 =	simm.s32 $0x1000;
	s12 =	simm.s32 $0x0;
	(pc) =	sbr.rel .LBB1_1-.Ltmp0, $4  }
0x6: {  	s9 =	simm.s32 $0x0;
	s3 =	sadd.s32 $0x600, s1;
	s5 =	sshll.u32 s4, $0x4  }
0x7: {  	s1 =	stileid.u32;
	s4 =	simm.s32 $0x1;
	s5 =	sand.u32 $0x10, s5  }
0x8: {  	s8 =	simm.s32 $0x0;
	[sflag:s4] =	ssyncpa.u1 $0x0;
	s5 =	sor.u32 s1, s5  }
0x9: {  	[sflag:s6] =	ssyncpa.u1 $0x0;
	s6 =	simm.s32 $0x800;
	s10 =	smov.u32 s5  }
.LBB1_7:
0xa: {  	s13 =	sadd.s32 $0x10, s9  }
0xb: {  	s11 =	sadd.s32 $0x20, s10;
	s15 =	smov.u32 s10;
	p2 =	sgt.s32 s13, $0x1F  }
0xc: {  	p1 =	slt.u32 s8, $0x2;
	s15 =	smov.u32 @p2 s11  }
0xd: {  	s8 =	sadd.s32 $0x1, s8;
	s13 =	simm.s32 @p2 $0x0;
	p2 =	sgt.s32 s15, $0x1FF  }
0xe: {  	s15 =	smov.u32 @p2 s5;
	p2 =	sne.s32 s8, $0x22  }
.Ltmp1:
0xf: {  	_ = 	snop;
	(pc) =	sbr.rel @!p2 .LBB1_8-.Ltmp1, $4  }
0x10: {  	s14 =	simm.s32 @!p1 $0x2  }
0x11: {  	s12 =	smov.u32 s10;
	_ =	swait.ge @!p1 [sflag:s14], $0x4000  }
0x12: {  	p0 =	por !p0, !p0;
	s11 =	smov.u32 s9;
	[sflag:s14] =	ssyncset.done @!p1 $0x0  }
0x13: {  	s9 =	smov.u32 s13;
	[sflag:s14] =	ssyncadd.s32 @!p1 $0xFFFFC000;
	s10 =	smov.u32 s15  }
.LBB1_1:
0x14: {  	p1 =	sgt.u32 s8, $0x1F  }
0x15: {  	s13 =	sxor.u32 @!p1 $0xFFFFFFFF, s8;
	s14 =	sshll.u32 @!p1 s10, $0xC  }
0x16: {  	s15 =	sshll.u32 @!p1 s9, $0x7;
	s13 =	sshll.u32 @!p1 s13, $0xE;
	s14 =	sadd.s32 @!p1 s2, s14  }
0x17: {  	s13 =	sand.u32 @!p1 $0x4000, s13;
	s14 =	sadd.s32 @!p1 s15, s14;
	s15 =	simm.s32 @!p1 $0x0  }
0x18: {  	[tilespmem:s13], [sflag:$0x1] =	stream.linear.gather @!p1 [hbm4b:s14+s15], $0x4000, $0x38;
	[tilespmem:$0x10000] =	vst v63  }
0x19: {  	p1 =	seq.s32 s8, $0x0  }
0x1a: {  	p2 =	seq.s32 @!p1 s8, $0x21  }
0x1b: {  	p1 =	por p1, p2  }
.Ltmp2:
0x1c: {  	_ = 	snop;
	(pc) =	sbr.rel @p1 .LBB1_7-.Ltmp2, $1  }
0x1d: {  	_ =	sdelay $0x3  }
0x1e: {  	s13 =	simm.s32 $0x1;
	_ =	swait.ge [sflag:s4], $0x4000;
	s16 =	sshll.u32 s8, $0xE  }
0x1f: {  	s13 =	simm.s32 @!p0 $0x0;
	[sflag:s4] =	ssyncset.done $0x0;
	s31 =	sand.u32 $0x4000, s16  }
0x20: {  	s16 =	simm.s32 $0x0;
	s14 =	sshll.u32 s13, $0xE;
	[sflag:s4] =	ssyncadd.s32 $0xFFFFC000  }
0x21: {  	s13 =	sor.u32 $0x8040, s14;
	s15 =	sor.u32 $0x40, s14;
	s14 =	sor.u32 $0x8000, s31  }
.LBB1_3:
0x22: {  	v0 =	vmov s15;
	_ =	sdelay $0x3  }
0x23: {  	s18 =	simm.s32 $0x0  }
0x24: {  	v6 =	vld.idx.msk [tilespmem:v0+s18+$0x30 ss:$0x1], $0xffff  }
0x25: {  	v7 =	vld.idx.msk [tilespmem:v0+s18+$0xFFFFFFC0 ss:$0x1], $0xffff  }
0x26: {  	v5 =	vld.idx.msk [tilespmem:v0+s18+$0xFFFFFFD0 ss:$0x1], $0xffff  }
0x27: {  	v4 =	vld.idx.msk [tilespmem:v0+s18+$0xFFFFFFE0 ss:$0x1], $0xffff  }
0x28: {  	v3 =	vld.idx.msk [tilespmem:v0+s18+$0xFFFFFFF0 ss:$0x1], $0xffff  }
0x29: {  	v1 =	vld.idx.msk [tilespmem:v0+s18+$0x0 ss:$0x1], $0xffff  }
0x2a: {  	v2 =	vld.idx.msk [tilespmem:v0+s18+$0x10 ss:$0x1], $0xffff;
	[tilespmem:s13+$0x30] =	vst v6  }
0x2b: {  	s17 =	simm.s32 $0x80;
	s19 =	simm.s32 $0x400;
	[tilespmem:s13+$0xFFFFFFC0] =	vst v7;
	v6 =	vld.idx.msk [tilespmem:v0+s18+$0x20 ss:$0x1], $0xffff;
	s18 =	smov.u32 s13  }
.LBB1_4:
0x2c: {  	p1 =	sne.s32 s19, $0xE00;
	v7 =	vld.idx.msk [tilespmem:v0+s17+$0x30 ss:$0x1], $0xffff;
	[tilespmem:s18+$0xFFFFFFD0] =	vst v5  }
0x2d: {  	v8 =	vld.idx.msk [tilespmem:v0+s17+$0xFFFFFFC0 ss:$0x1], $0xffff;
	[tilespmem:s18+$0xFFFFFFE0] =	vst v4  }
0x2e: {  	v5 =	vld.idx.msk [tilespmem:v0+s17+$0xFFFFFFD0 ss:$0x1], $0xffff;
	[tilespmem:s18+$0xFFFFFFF0] =	vst v3  }
.Ltmp3:
0x2f: {  	v4 =	vld.idx.msk [tilespmem:v0+s17+$0xFFFFFFE0 ss:$0x1], $0xffff;
	[tilespmem:s18+$0x0] =	vst v1;
	(pc) =	sbr.rel @p1 .LBB1_4-.Ltmp3, $4  }
0x30: {  	v3 =	vld.idx.msk [tilespmem:v0+s17+$0xFFFFFFF0 ss:$0x1], $0xffff;
	[tilespmem:s18+$0x10] =	vst v2  }
0x31: {  	v1 =	vld.idx.msk [tilespmem:v0+s17+$0x0 ss:$0x1], $0xffff;
	[tilespmem:s18+$0x20] =	vst v6;
	s18 =	sadd.s32 $0x800, s18  }
0x32: {  	v2 =	vld.idx.msk [tilespmem:v0+s17+$0x10 ss:$0x1], $0xffff;
	[tilespmem:s18+$0x30] =	vst v7  }
0x33: {  	[tilespmem:s18+$0xFFFFFFC0] =	vst v8;
	v6 =	vld.idx.msk [tilespmem:v0+s17+$0x20 ss:$0x1], $0xffff;
	s17 =	sshra.s32 s19, $0x2;
	s19 =	sadd.s32 $0x200, s19  }
0x34: {  	_ =	sdelay $0x2  }
0x35: {  	[tilespmem:s18+$0xFFFFFFD0] =	vst v5  }
0x36: {  	v56 =	vld.idx.msk [tilespmem:v0+s17+$0x30 ss:$0x1], $0xffff;
	[tilespmem:s18+$0xFFFFFFE0] =	vst v4  }
0x37: {  	v57 =	vld.idx.msk [tilespmem:v0+s17+$0xFFFFFFC0 ss:$0x1], $0xffff;
	[tilespmem:s18+$0xFFFFFFF0] =	vst v3  }
0x38: {  	v58 =	vld.idx.msk [tilespmem:v0+s17+$0xFFFFFFD0 ss:$0x1], $0xffff;
	[tilespmem:s18+$0x0] =	vst v1  }
0x39: {  	v59 =	vld.idx.msk [tilespmem:v0+s17+$0xFFFFFFE0 ss:$0x1], $0xffff;
	[tilespmem:s18+$0x10] =	vst v2  }
0x3a: {  	v60 =	vld.idx.msk [tilespmem:v0+s17+$0xFFFFFFF0 ss:$0x1], $0xffff;
	s31 =	sadd.s32 $0x800, s18;
	[tilespmem:s18+$0x20] =	vst v6  }
0x3b: {  	v61 =	vld.idx.msk [tilespmem:v0+s17+$0x0 ss:$0x1], $0xffff;
	[tilespmem:s31+$0x30] =	vst v56  }
0x3c: {  	v62 =	vld.idx.msk [tilespmem:v0+s17+$0x10 ss:$0x1], $0xffff;
	s16 =	sadd.s32 $0x1, s16;
	[tilespmem:s31+$0xFFFFFFC0] =	vst v57  }
0x3d: {  	v63 =	vld.idx.msk [tilespmem:v0+s17+$0x20 ss:$0x1], $0xffff;
	p1 =	sne.s32 s16, $0x10;
	[tilespmem:s31+$0xFFFFFFD0] =	vst v58  }
.Ltmp4:
0x3e: {  	[tilespmem:s31+$0xFFFFFFE0] =	vst v59;
	(pc) =	sbr.rel @p1 .LBB1_3-.Ltmp4, $4  }
0x3f: {  	[tilespmem:s31+$0xFFFFFFF0] =	vst v60  }
0x40: {  	[tilespmem:s31+$0x0] =	vst v61  }
0x41: {  	[tilespmem:s31+$0x10] =	vst v62  }
0x42: {  	s13 =	sadd.s32 $0x80, s13;
	s15 =	sadd.s32 $0x400, s15;
	[tilespmem:s31+$0x20] =	vst v63  }
.Ltmp5:
0x43: {  	(pc) =	sbr.rel .LBB1_7-.Ltmp5, $4  }
0x44: {  	s12 =	sshll.u32 s12, $0xC;
	s11 =	sshll.u32 s11, $0x4  }
0x45: {  	s11 =	sand.u32 $0x1F0, s11;
	s12 =	sadd.s32 s3, s12  }
0x46: {  	s11 =	sadd.s32 s11, s12  }
0x47: {  	[hbm4b:s11+s6] =	stream.strided.scatter [tilespmem:s14], [sflag:$0x2], $0x4000, s7, s6, $0x38;
	[tilespmem:$0x10000] =	vst v63  }
.LBB1_8:
0x48: {  	_ =	sfence.sel $0x180000  }
0x49: {  	s2 =	simm.s32 $0x1;
	[bflag:$0x0] =	sbarrier.arrive $0xFFFF  }
0x4a: {  	s31 =	simm.s32 $0x2;
	[sflag:s2] =	ssyncpa.u1 $0x1  }
0x4b: {  	[sflag:s31] =	ssyncpa.u1 $0x1  }
0x4c: {  	p0 =	sne.s32 s1, $0x0;
	_ =	strace $0x90000047  }
0x4d: {  	s0 =	sadd.s32 @!p0 $0x100000, s0;
	[bflag:$0x2] =	sbarrier.arrive $0xFFFF  }
0x4e: {  	[sflag:s0] =	ssyncadd.tile.s32 @!p0 $0x1;
	_ =	shalt  }
.Lfunc_end1:
_tile_overlayer_lowered:
.L_overlay_start_2:
0x4f: {  	(tag) =	ssettag $0x2  }
0x50: {  	s0 =	rddreg [dreg:$0x0];
	s2 =	stileid.u32  }
0x51: {  	s1 =	rddreg [dreg:$0x1];
	p0 =	sne.s32 s2, $0x0  }
0x52: {  	s3 =	rddreg [dreg:$0x2];
	[bflag:$0x3] =	sbarrier.arrive $0xFFFF;
	s2 =	simm.s32 @!p0 $0x1C01  }
0x53: {  	[timem:s3], [sflag:s2] =	dma.local @!p0 [hbm:s0], s1  }
0x54: {  	s0 =	simm.s32 @!p0 $0x1  }
0x55: {  	_ =	swait.ge @!p0 [sflag:s0], s1  }
0x56: {  	s1 =	ssub.s32 @!p0 $0x0, s1;
	[sflag:s0] =	ssyncset.done @!p0 $0x0  }
0x57: {  	[sflag:s0] =	ssyncadd.s32 @!p0 s1  }
0x58: {  	[bflag:$0x3] =	sbarrier.arrive $0xFFFF  }
0x59: {  	_ =	shalt  }

</sc_bundles>
